<compile_context>
chip_gen: v7x
topology: tpu7x:2x2x1
jax: 0.10.2.dev20260603
libtpu: 0.0.44.dev20260713+nightly
codegen_flags: <defaults>
</compile_context>

<pallas_src>
import functools

import jax
import jax.numpy as jnp
from jax import lax
from jax.experimental import pallas as pl
from jax.experimental.pallas import tpu as pltpu
from jax.experimental.pallas import tpu_sc as plsc

NC = 2
NS = 16
NW = NC * NS
CB = 128


def _round_up(a, b):
    return (a + b - 1) // b * b


def _make_segsum(Npad, D, J):
    mesh = plsc.VectorSubcoreMesh(core_axis_name="c", subcore_axis_name="s")
    rows_per_tile = Npad // NS
    ZR = 128
    n_zero_copies = rows_per_tile // ZR

    @functools.partial(
        pl.kernel,
        mesh=mesh,
        out_type=jax.ShapeDtypeStruct((NC, Npad, D), jnp.float32),
        scratch_types=[
            pltpu.VMEM((J, CB), jnp.int32),
            pltpu.VMEM((J, CB), jnp.int32),
            pltpu.VMEM((CB, D), jnp.float32),
            pltpu.VMEM((ZR, D), jnp.float32),
            pltpu.VMEM_SHARED((Npad, D), jnp.float32),
            pltpu.SemaphoreType.DMA,
        ],
        compiler_params=pltpu.CompilerParams(use_tc_tiling_on_sc=False),
    )
    def segsum(feat_hbm, src_hbm, dst_hbm, out_hbm, src_v, dst_v, rows_v,
               zb_v, acc_sh, sem):
        c = lax.axis_index("c")
        s = lax.axis_index("s")
        wid = s * NC + c

        pltpu.sync_copy(src_hbm.at[wid], src_v)
        pltpu.sync_copy(dst_hbm.at[wid], dst_v)

        zeros16 = jnp.zeros((16,), jnp.float32)

        def zero_row(i, _):
            for cc in range(D // 16):
                zb_v[i, pl.ds(cc * 16, 16)] = zeros16
            return 0

        lax.fori_loop(0, ZR, zero_row, 0)
        for k in range(n_zero_copies):
            pltpu.sync_copy(
                zb_v, acc_sh.at[pl.ds(s * rows_per_tile + k * ZR, ZR)])
        plsc.subcore_barrier()

        def edge_batch(j, _):
            pltpu.async_copy(feat_hbm.at[src_v.at[j]], rows_v, sem).wait()
            pltpu.sync_copy(rows_v, acc_sh.at[dst_v.at[j]], add=True)
            return 0

        lax.fori_loop(0, J, edge_batch, 0)
        plsc.subcore_barrier()

        pltpu.sync_copy(
            acc_sh.at[pl.ds(s * rows_per_tile, rows_per_tile)],
            out_hbm.at[c, pl.ds(s * rows_per_tile, rows_per_tile)])

    return segsum


def _tc_pre(x, W1l, W1r, b1, Npad, D1, R):
    N, DIN = x.shape
    H = W1l.shape[1]

    def body(x_ref, wl_ref, wr_ref, b_ref, xl_ref, xr_ref):
        xb = x_ref[...]
        y = jnp.dot(xb, wl_ref[...], preferred_element_type=jnp.float32)
        ones = jnp.ones((R, 1), jnp.float32)
        zpad = jnp.zeros((R, D1 - H - 1), jnp.float32)
        xl_ref[...] = jnp.concatenate([y, ones, zpad], axis=1)
        xr_ref[...] = (
            jnp.dot(xb, wr_ref[...], preferred_element_type=jnp.float32)
            + b_ref[...])

    grid = (Npad // R,)
    return pl.pallas_call(
        body,
        grid=grid,
        in_specs=[
            pl.BlockSpec((R, DIN), lambda i: (i, 0)),
            pl.BlockSpec((DIN, H), lambda i: (0, 0)),
            pl.BlockSpec((DIN, H), lambda i: (0, 0)),
            pl.BlockSpec((1, H), lambda i: (0, 0)),
        ],
        out_specs=[
            pl.BlockSpec((R, D1), lambda i: (i, 0)),
            pl.BlockSpec((R, H), lambda i: (i, 0)),
        ],
        out_shape=[
            jax.ShapeDtypeStruct((Npad, D1), jnp.float32),
            jax.ShapeDtypeStruct((Npad, H), jnp.float32),
        ],
    )(x, W1l, W1r, b1.reshape(1, H))


def _tc_mid(part1, xr1, W2l, W2r, b2, Npad, D1, R):
    H = xr1.shape[1]
    H2 = W2l.shape[1]

    def body(p_ref, xr_ref, wl_ref, wr_ref, b_ref, hl_ref, hr_ref, dg_ref):
        p = p_ref[...]
        agg = p[0] + p[1]
        deg = jnp.maximum(agg[:, H:H + 1], 1.0)
        h1 = jnp.maximum(agg[:, :H] / deg + xr_ref[...], 0.0)
        hl_ref[...] = jnp.dot(h1, wl_ref[...],
                              preferred_element_type=jnp.float32)
        hr_ref[...] = (
            jnp.dot(h1, wr_ref[...], preferred_element_type=jnp.float32)
            + b_ref[...])
        dg_ref[...] = jnp.broadcast_to(deg, (R, 8))

    grid = (Npad // R,)
    return pl.pallas_call(
        body,
        grid=grid,
        in_specs=[
            pl.BlockSpec((NC, R, D1), lambda i: (0, i, 0)),
            pl.BlockSpec((R, H), lambda i: (i, 0)),
            pl.BlockSpec((H, H2), lambda i: (0, 0)),
            pl.BlockSpec((H, H2), lambda i: (0, 0)),
            pl.BlockSpec((1, H2), lambda i: (0, 0)),
        ],
        out_specs=[
            pl.BlockSpec((R, H2), lambda i: (i, 0)),
            pl.BlockSpec((R, H2), lambda i: (i, 0)),
            pl.BlockSpec((R, 8), lambda i: (i, 0)),
        ],
        out_shape=[
            jax.ShapeDtypeStruct((Npad, H2), jnp.float32),
            jax.ShapeDtypeStruct((Npad, H2), jnp.float32),
            jax.ShapeDtypeStruct((Npad, 8), jnp.float32),
        ],
    )(part1, xr1, W2l, W2r, b2.reshape(1, H2))


def _tc_post(part2, hr2, degb, Wp, bp, Wc, bc, Npad, R):
    H2 = hr2.shape[1]
    OC = Wc.shape[1]
    OCp = 8

    Wc_p = jnp.zeros((H2, OCp), jnp.float32).at[:, :OC].set(Wc)
    bc_p = jnp.zeros((1, OCp), jnp.float32).at[0, :OC].set(bc)

    def body(p_ref, hr_ref, dg_ref, wp_ref, bp_ref, wc_ref, bc_ref,
             z_ref, l_ref):
        p = p_ref[...]
        agg = p[0] + p[1]
        deg = dg_ref[...][:, 0:1]
        h2 = jnp.maximum(agg / deg + hr_ref[...], 0.0)
        z = jnp.dot(h2, wp_ref[...], preferred_element_type=jnp.float32) \
            + bp_ref[...]
        z_ref[...] = z
        l_ref[...] = jnp.dot(z, wc_ref[...],
                             preferred_element_type=jnp.float32) + bc_ref[...]

    grid = (Npad // R,)
    return pl.pallas_call(
        body,
        grid=grid,
        in_specs=[
            pl.BlockSpec((NC, R, H2), lambda i: (0, i, 0)),
            pl.BlockSpec((R, H2), lambda i: (i, 0)),
            pl.BlockSpec((R, 8), lambda i: (i, 0)),
            pl.BlockSpec((H2, H2), lambda i: (0, 0)),
            pl.BlockSpec((1, H2), lambda i: (0, 0)),
            pl.BlockSpec((H2, OCp), lambda i: (0, 0)),
            pl.BlockSpec((1, OCp), lambda i: (0, 0)),
        ],
        out_specs=[
            pl.BlockSpec((R, H2), lambda i: (i, 0)),
            pl.BlockSpec((R, OCp), lambda i: (i, 0)),
        ],
        out_shape=[
            jax.ShapeDtypeStruct((Npad, H2), jnp.float32),
            jax.ShapeDtypeStruct((Npad, OCp), jnp.float32),
        ],
    )(part2, hr2, degb, Wp, bp.reshape(1, H2), Wc_p, bc_p)


def kernel(x, edge_index, W1l, W1r, b1, W2l, W2r, b2, Wp, bp, Wc, bc):
    N, DIN = x.shape
    E = edge_index.shape[1]
    H = W1l.shape[1]
    H2 = W2l.shape[1]
    OC = Wc.shape[1]

    R = 1024
    Npad = _round_up(N + 1, R)
    D1 = _round_up(H + 1, 16)
    J = _round_up(E, NW * CB) // (NW * CB)
    Epad = J * NW * CB

    xp = jnp.pad(x, ((0, Npad - N), (0, 0)))
    src = jnp.pad(edge_index[0], (0, Epad - E), constant_values=N)
    dst = jnp.pad(edge_index[1], (0, Epad - E), constant_values=N)
    src_r = src.reshape(NW, J, CB)
    dst_r = dst.reshape(NW, J, CB)

    xl1e, xr1 = _tc_pre(xp, W1l, W1r, b1, Npad, D1, R)

    part1 = _make_segsum(Npad, D1, J)(xl1e, src_r, dst_r)

    hl2, hr2, degb = _tc_mid(part1, xr1, W2l, W2r, b2, Npad, D1, R)

    part2 = _make_segsum(Npad, H2, J)(hl2, src_r, dst_r)

    z, logits = _tc_post(part2, hr2, degb, Wp, bp, Wc, bc, Npad, R)

    return (logits[:N, :OC], z[:N, :H2])

# --- scband reference (transcript-rebuilt; emitter-appended) ---
"""Pipeline reference for scband-hybrid-gnn-17428977287455 (READ-ONLY COPY).

The authoritative reference and input builder live on the scoring server;
editing this copy changes nothing except your own understanding.
"""

import jax, jax.numpy as jnp
import numpy as np

N_NODES = 10000
N_EDGES = 320000
D_IN = 128
HIDDEN = 64
OUT_CLASSES = 2


def setup_inputs(seed: int = 0) -> dict:
    key = jax.random.key(seed)
    ks = jax.random.split(key, 13)
    x = jax.random.normal(ks[0], (N_NODES, D_IN), dtype=jnp.float32)
    edge_index = jax.random.randint(ks[1], (2, N_EDGES), 0, N_NODES, dtype=jnp.int32)
    def lin(k, fan_in, fan_out):
        s = 1.0 / np.sqrt(fan_in)
        return jax.random.uniform(k, (fan_in, fan_out), jnp.float32, -s, s)
    def bias(k, fan_in, fan_out):
        s = 1.0 / np.sqrt(fan_in)
        return jax.random.uniform(k, (fan_out,), jnp.float32, -s, s)
    H2 = HIDDEN // 2
    return {
        "x": x,
        "edge_index": edge_index,
        "W1l": lin(ks[2], D_IN, HIDDEN),   # sage1: applied to aggregated neighbors
        "W1r": lin(ks[3], D_IN, HIDDEN),   # sage1: applied to root/self features
        "b1": bias(ks[4], D_IN, HIDDEN),
        "W2l": lin(ks[5], HIDDEN, H2),
        "W2r": lin(ks[6], HIDDEN, H2),
        "b2": bias(ks[7], HIDDEN, H2),
        "Wp": lin(ks[8], H2, H2),
        "bp": bias(ks[9], H2, H2),
        "Wc": lin(ks[10], H2, OUT_CLASSES),
        "bc": bias(ks[11], H2, OUT_CLASSES),
    }


def _sage_conv(x, edge_index, Wl, Wr, b):
    # PyG SAGEConv with mean aggregation:
    # out = lin_l(mean_{j in N(i)} x_j) + lin_r(x_i)
    src = edge_index[0]
    dst = edge_index[1]
    n = x.shape[0]
    msgs = jnp.take(x, src, axis=0)                       # gather (SparseCore)
    agg = jax.ops.segment_sum(msgs, dst, num_segments=n)  # scatter-add
    deg = jax.ops.segment_sum(jnp.ones((edge_index.shape[1], 1), dtype=x.dtype), dst, num_segments=n)
    mean = agg / jnp.clip(deg, 1.0, None)
    return mean @ Wl + x @ Wr + b


def reference(x, edge_index, W1l, W1r, b1, W2l, W2r, b2, Wp, bp, Wc, bc):
    h = jax.nn.relu(_sage_conv(x, edge_index, W1l, W1r, b1))
    h = jax.nn.relu(_sage_conv(h, edge_index, W2l, W2r, b2))
    z = h @ Wp + bp
    logits = z @ Wc + bc
    return (logits, z)

if __name__ == "__main__":
    import jax
    _d = setup_inputs()
    print(jax.jit(kernel)(*tuple(_d.values())))

</pallas_src>

<mosaic_0001>
#map = affine_map<(d0, d1) -> (0, 0)>
#map1 = affine_map<(d0, d1) -> (0, 0, 0)>
module attributes {stable_mosaic.version = 14 : i64} {
  func.func @segsum(%arg0: i32, %arg1: i32, %arg2: memref<10240x80xf32, #tpu.memory_space<hbm>>, %arg3: memref<32x79x128xi32, #tpu.memory_space<hbm>>, %arg4: memref<32x79x128xi32, #tpu.memory_space<hbm>>, %arg5: memref<2x10240x80xf32, #tpu.memory_space<hbm>>, %arg6: memref<79x128xi32, #tpu.memory_space<vmem>>, %arg7: memref<79x128xi32, #tpu.memory_space<vmem>>, %arg8: memref<128x80xf32, #tpu.memory_space<vmem>>, %arg9: memref<128x80xf32, #tpu.memory_space<vmem>>, %arg10: memref<10240x80xf32, #tpu.memory_space<vmem_shared>>, %arg11: memref<!tpu.dma_semaphore, #tpu.memory_space<semaphore_mem>>) attributes {dimension_semantics = [#tpu.dimension_semantics<core_parallel>, #tpu.dimension_semantics<subcore_parallel>], iteration_bounds = array<i64: 2, 16>, scalar_prefetch = 0 : i64, scratch_operands = 6 : i64, tpu.core_type = #tpu.core_type<sc_vector_subcore>, window_params = [{transform_indices = #map}, {transform_indices = #map1}, {transform_indices = #map1}, {transform_indices = #map1}]} {
    %mul3A = arith.constant 2 : i32
    %mul3A_0 = arith.muli %arg1, %mul3A : i32
    %add3A = arith.addi %mul3A_0, %arg0 : i32
    "tpu.region"() ({
      %run_scoped3A = tpu.sem_alloc : memref<!tpu.dma_semaphore, #tpu.memory_space<semaphore_mem>>
      %dma_start3A = arith.constant 0 : i32
      %dma_start3A_40 = arith.constant 0 : i32
      %dma_start3A_41 = tpu.memref_slice %arg3[%add3A, %dma_start3A, %dma_start3A_40] : memref<32x79x128xi32, #tpu.memory_space<hbm>> -> memref<1x79x128xi32, #tpu.memory_space<hbm>>
      %dma_start3A_42 = tpu.memref_squeeze %dma_start3A_41 : memref<1x79x128xi32, #tpu.memory_space<hbm>> -> memref<79x128xi32, #tpu.memory_space<hbm>>
      %dma_start3A_43 = arith.constant 0 : i32
      %dma_start3A_44 = arith.constant 0 : i32
      %dma_start3A_45 = tpu.memref_slice %arg3[%add3A, %dma_start3A_43, %dma_start3A_44] : memref<32x79x128xi32, #tpu.memory_space<hbm>> -> memref<1x79x128xi32, #tpu.memory_space<hbm>>
      %dma_start3A_46 = tpu.memref_squeeze %dma_start3A_45 : memref<1x79x128xi32, #tpu.memory_space<hbm>> -> memref<79x128xi32, #tpu.memory_space<hbm>>
      tpu.enqueue_dma source(%dma_start3A_46 : memref<79x128xi32, #tpu.memory_space<hbm>>) target(%arg6 : memref<79x128xi32, #tpu.memory_space<vmem>>) target_semaphore(%run_scoped3A : memref<!tpu.dma_semaphore, #tpu.memory_space<semaphore_mem>>)
      %dma_wait3A = arith.constant 0 : i32
      %dma_wait3A_47 = arith.constant 0 : i32
      %dma_wait3A_48 = tpu.memref_slice %arg3[%add3A, %dma_wait3A, %dma_wait3A_47] : memref<32x79x128xi32, #tpu.memory_space<hbm>> -> memref<1x79x128xi32, #tpu.memory_space<hbm>>
      %dma_wait3A_49 = tpu.memref_squeeze %dma_wait3A_48 : memref<1x79x128xi32, #tpu.memory_space<hbm>> -> memref<79x128xi32, #tpu.memory_space<hbm>>
      %dma_wait3A_50 = arith.constant 0 : i32
      %dma_wait3A_51 = arith.constant 0 : i32
      %dma_wait3A_52 = tpu.memref_slice %arg3[%add3A, %dma_wait3A_50, %dma_wait3A_51] : memref<32x79x128xi32, #tpu.memory_space<hbm>> -> memref<1x79x128xi32, #tpu.memory_space<hbm>>
      %dma_wait3A_53 = tpu.memref_squeeze %dma_wait3A_52 : memref<1x79x128xi32, #tpu.memory_space<hbm>> -> memref<79x128xi32, #tpu.memory_space<hbm>>
      tpu.wait_dma2 semaphore(%run_scoped3A : memref<!tpu.dma_semaphore, #tpu.memory_space<semaphore_mem>>) src(%dma_wait3A_53 : memref<79x128xi32, #tpu.memory_space<hbm>>) dst(%arg6 : memref<79x128xi32, #tpu.memory_space<vmem>>)
      tpu.yield
    }) : () -> ()
    "tpu.region"() ({
      %run_scoped3A = tpu.sem_alloc : memref<!tpu.dma_semaphore, #tpu.memory_space<semaphore_mem>>
      %dma_start3A = arith.constant 0 : i32
      %dma_start3A_40 = arith.constant 0 : i32
      %dma_start3A_41 = tpu.memref_slice %arg4[%add3A, %dma_start3A, %dma_start3A_40] : memref<32x79x128xi32, #tpu.memory_space<hbm>> -> memref<1x79x128xi32, #tpu.memory_space<hbm>>
      %dma_start3A_42 = tpu.memref_squeeze %dma_start3A_41 : memref<1x79x128xi32, #tpu.memory_space<hbm>> -> memref<79x128xi32, #tpu.memory_space<hbm>>
      %dma_start3A_43 = arith.constant 0 : i32
      %dma_start3A_44 = arith.constant 0 : i32
      %dma_start3A_45 = tpu.memref_slice %arg4[%add3A, %dma_start3A_43, %dma_start3A_44] : memref<32x79x128xi32, #tpu.memory_space<hbm>> -> memref<1x79x128xi32, #tpu.memory_space<hbm>>
      %dma_start3A_46 = tpu.memref_squeeze %dma_start3A_45 : memref<1x79x128xi32, #tpu.memory_space<hbm>> -> memref<79x128xi32, #tpu.memory_space<hbm>>
      tpu.enqueue_dma source(%dma_start3A_46 : memref<79x128xi32, #tpu.memory_space<hbm>>) target(%arg7 : memref<79x128xi32, #tpu.memory_space<vmem>>) target_semaphore(%run_scoped3A : memref<!tpu.dma_semaphore, #tpu.memory_space<semaphore_mem>>)
      %dma_wait3A = arith.constant 0 : i32
      %dma_wait3A_47 = arith.constant 0 : i32
      %dma_wait3A_48 = tpu.memref_slice %arg4[%add3A, %dma_wait3A, %dma_wait3A_47] : memref<32x79x128xi32, #tpu.memory_space<hbm>> -> memref<1x79x128xi32, #tpu.memory_space<hbm>>
      %dma_wait3A_49 = tpu.memref_squeeze %dma_wait3A_48 : memref<1x79x128xi32, #tpu.memory_space<hbm>> -> memref<79x128xi32, #tpu.memory_space<hbm>>
      %dma_wait3A_50 = arith.constant 0 : i32
      %dma_wait3A_51 = arith.constant 0 : i32
      %dma_wait3A_52 = tpu.memref_slice %arg4[%add3A, %dma_wait3A_50, %dma_wait3A_51] : memref<32x79x128xi32, #tpu.memory_space<hbm>> -> memref<1x79x128xi32, #tpu.memory_space<hbm>>
      %dma_wait3A_53 = tpu.memref_squeeze %dma_wait3A_52 : memref<1x79x128xi32, #tpu.memory_space<hbm>> -> memref<79x128xi32, #tpu.memory_space<hbm>>
      tpu.wait_dma2 semaphore(%run_scoped3A : memref<!tpu.dma_semaphore, #tpu.memory_space<semaphore_mem>>) src(%dma_wait3A_53 : memref<79x128xi32, #tpu.memory_space<hbm>>) dst(%arg7 : memref<79x128xi32, #tpu.memory_space<vmem>>)
      tpu.yield
    }) : () -> ()
    %broadcast_in_dim3A = arith.constant 0.000000e+00 : f32
    %broadcast_in_dim3A_1 = vector.broadcast %broadcast_in_dim3A : f32 to vector<16xf32>
    %scan3A = arith.constant 0 : i32
    %scan3A_2 = arith.constant 0 : i32
    %scan3A_3 = arith.constant 128 : i32
    %scan3A_4 = arith.addi %scan3A_2, %scan3A_3 : i32
    %scan3A_5 = arith.constant 1 : i32
    %scan3A_6 = scf.for %scan3A_40 = %scan3A_2 to %scan3A_4 step %scan3A_5 iter_args(%scan3A_41 = %scan3A) -> (i32)  : i32 {
      %swap3A = arith.index_cast %scan3A_40 : i32 to index
      %swap3A_42 = arith.constant 0 : index
      %swap3A_43 = tpu.vector_load %arg9[%swap3A, %swap3A_42] {strides = array<i32>} : memref<128x80xf32, #tpu.memory_space<vmem>>, vector<1x16xf32>,
      %swap3A_44 = vector.shape_cast %swap3A_43 : vector<1x16xf32> to vector<16xf32>
      %swap3A_45 = vector.shape_cast %broadcast_in_dim3A_1 : vector<16xf32> to vector<1x16xf32>
      tpu.vector_store %arg9[%swap3A, %swap3A_42], %swap3A_45 {strides = array<i32>} : memref<128x80xf32, #tpu.memory_space<vmem>>, vector<1x16xf32>,
      %swap3A_46 = arith.index_cast %scan3A_40 : i32 to index
      %swap3A_47 = arith.constant 16 : index
      %swap3A_48 = tpu.vector_load %arg9[%swap3A_46, %swap3A_47] {strides = array<i32>} : memref<128x80xf32, #tpu.memory_space<vmem>>, vector<1x16xf32>,
      %swap3A_49 = vector.shape_cast %swap3A_48 : vector<1x16xf32> to vector<16xf32>
      %swap3A_50 = vector.shape_cast %broadcast_in_dim3A_1 : vector<16xf32> to vector<1x16xf32>
      tpu.vector_store %arg9[%swap3A_46, %swap3A_47], %swap3A_50 {strides = array<i32>} : memref<128x80xf32, #tpu.memory_space<vmem>>, vector<1x16xf32>,
      %swap3A_51 = arith.index_cast %scan3A_40 : i32 to index
      %swap3A_52 = arith.constant 32 : index
      %swap3A_53 = tpu.vector_load %arg9[%swap3A_51, %swap3A_52] {strides = array<i32>} : memref<128x80xf32, #tpu.memory_space<vmem>>, vector<1x16xf32>,
      %swap3A_54 = vector.shape_cast %swap3A_53 : vector<1x16xf32> to vector<16xf32>
      %swap3A_55 = vector.shape_cast %broadcast_in_dim3A_1 : vector<16xf32> to vector<1x16xf32>
      tpu.vector_store %arg9[%swap3A_51, %swap3A_52], %swap3A_55 {strides = array<i32>} : memref<128x80xf32, #tpu.memory_space<vmem>>, vector<1x16xf32>,
      %swap3A_56 = arith.index_cast %scan3A_40 : i32 to index
      %swap3A_57 = arith.constant 48 : index
      %swap3A_58 = tpu.vector_load %arg9[%swap3A_56, %swap3A_57] {strides = array<i32>} : memref<128x80xf32, #tpu.memory_space<vmem>>, vector<1x16xf32>,
      %swap3A_59 = vector.shape_cast %swap3A_58 : vector<1x16xf32> to vector<16xf32>
      %swap3A_60 = vector.shape_cast %broadcast_in_dim3A_1 : vector<16xf32> to vector<1x16xf32>
      tpu.vector_store %arg9[%swap3A_56, %swap3A_57], %swap3A_60 {strides = array<i32>} : memref<128x80xf32, #tpu.memory_space<vmem>>, vector<1x16xf32>,
      %swap3A_61 = arith.index_cast %scan3A_40 : i32 to index
      %swap3A_62 = arith.constant 64 : index
      %swap3A_63 = tpu.vector_load %arg9[%swap3A_61, %swap3A_62] {strides = array<i32>} : memref<128x80xf32, #tpu.memory_space<vmem>>, vector<1x16xf32>,
      %swap3A_64 = vector.shape_cast %swap3A_63 : vector<1x16xf32> to vector<16xf32>
      %swap3A_65 = vector.shape_cast %broadcast_in_dim3A_1 : vector<16xf32> to vector<1x16xf32>
      tpu.vector_store %arg9[%swap3A_61, %swap3A_62], %swap3A_65 {strides = array<i32>} : memref<128x80xf32, #tpu.memory_space<vmem>>, vector<1x16xf32>,
      %scan3A_66 = arith.constant 0 : i32
      scf.yield %scan3A_66 : i32
    }
    %scan3A_7 = arith.constant 128 : i32
    %mul3A_8 = arith.constant 640 : i32
    %mul3A_9 = arith.muli %arg1, %mul3A_8 : i32
    %add3A_10 = arith.constant 0 : i32
    %add3A_11 = arith.addi %mul3A_9, %add3A_10 : i32
    "tpu.region"() ({
      %run_scoped3A = tpu.sem_alloc : memref<!tpu.dma_semaphore, #tpu.memory_space<semaphore_mem>>
      %dma_start3A = arith.constant 0 : i32
      %dma_start3A_40 = tpu.memref_slice %arg10[%add3A_11, %dma_start3A] : memref<10240x80xf32, #tpu.memory_space<vmem_shared>> -> memref<128x80xf32, #tpu.memory_space<vmem_shared>>
      %dma_start3A_41 = arith.constant 0 : i32
      %dma_start3A_42 = tpu.memref_slice %arg10[%add3A_11, %dma_start3A_41] : memref<10240x80xf32, #tpu.memory_space<vmem_shared>> -> memref<128x80xf32, #tpu.memory_space<vmem_shared>>
      tpu.enqueue_dma source(%arg9 : memref<128x80xf32, #tpu.memory_space<vmem>>) target(%dma_start3A_42 : memref<128x80xf32, #tpu.memory_space<vmem_shared>>) target_semaphore(%run_scoped3A : memref<!tpu.dma_semaphore, #tpu.memory_space<semaphore_mem>>)
      %dma_wait3A = arith.constant 0 : i32
      %dma_wait3A_43 = tpu.memref_slice %arg10[%add3A_11, %dma_wait3A] : memref<10240x80xf32, #tpu.memory_space<vmem_shared>> -> memref<128x80xf32, #tpu.memory_space<vmem_shared>>
      %dma_wait3A_44 = arith.constant 0 : i32
      %dma_wait3A_45 = tpu.memref_slice %arg10[%add3A_11, %dma_wait3A_44] : memref<10240x80xf32, #tpu.memory_space<vmem_shared>> -> memref<128x80xf32, #tpu.memory_space<vmem_shared>>
      tpu.wait_dma2 semaphore(%run_scoped3A : memref<!tpu.dma_semaphore, #tpu.memory_space<semaphore_mem>>) src(%arg9 : memref<128x80xf32, #tpu.memory_space<vmem>>) dst(%dma_wait3A_45 : memref<128x80xf32, #tpu.memory_space<vmem_shared>>)
      tpu.yield
    }) : () -> ()
    %mul3A_12 = arith.constant 640 : i32
    %mul3A_13 = arith.muli %arg1, %mul3A_12 : i32
    %add3A_14 = arith.constant 128 : i32
    %add3A_15 = arith.addi %mul3A_13, %add3A_14 : i32
    "tpu.region"() ({
      %run_scoped3A = tpu.sem_alloc : memref<!tpu.dma_semaphore, #tpu.memory_space<semaphore_mem>>
      %dma_start3A = arith.constant 0 : i32
      %dma_start3A_40 = tpu.memref_slice %arg10[%add3A_15, %dma_start3A] : memref<10240x80xf32, #tpu.memory_space<vmem_shared>> -> memref<128x80xf32, #tpu.memory_space<vmem_shared>>
      %dma_start3A_41 = arith.constant 0 : i32
      %dma_start3A_42 = tpu.memref_slice %arg10[%add3A_15, %dma_start3A_41] : memref<10240x80xf32, #tpu.memory_space<vmem_shared>> -> memref<128x80xf32, #tpu.memory_space<vmem_shared>>
      tpu.enqueue_dma source(%arg9 : memref<128x80xf32, #tpu.memory_space<vmem>>) target(%dma_start3A_42 : memref<128x80xf32, #tpu.memory_space<vmem_shared>>) target_semaphore(%run_scoped3A : memref<!tpu.dma_semaphore, #tpu.memory_space<semaphore_mem>>)
      %dma_wait3A = arith.constant 0 : i32
      %dma_wait3A_43 = tpu.memref_slice %arg10[%add3A_15, %dma_wait3A] : memref<10240x80xf32, #tpu.memory_space<vmem_shared>> -> memref<128x80xf32, #tpu.memory_space<vmem_shared>>
      %dma_wait3A_44 = arith.constant 0 : i32
      %dma_wait3A_45 = tpu.memref_slice %arg10[%add3A_15, %dma_wait3A_44] : memref<10240x80xf32, #tpu.memory_space<vmem_shared>> -> memref<128x80xf32, #tpu.memory_space<vmem_shared>>
      tpu.wait_dma2 semaphore(%run_scoped3A : memref<!tpu.dma_semaphore, #tpu.memory_space<semaphore_mem>>) src(%arg9 : memref<128x80xf32, #tpu.memory_space<vmem>>) dst(%dma_wait3A_45 : memref<128x80xf32, #tpu.memory_space<vmem_shared>>)
      tpu.yield
    }) : () -> ()
    %mul3A_16 = arith.constant 640 : i32
    %mul3A_17 = arith.muli %arg1, %mul3A_16 : i32
    %add3A_18 = arith.constant 256 : i32
    %add3A_19 = arith.addi %mul3A_17, %add3A_18 : i32
    "tpu.region"() ({
      %run_scoped3A = tpu.sem_alloc : memref<!tpu.dma_semaphore, #tpu.memory_space<semaphore_mem>>
      %dma_start3A = arith.constant 0 : i32
      %dma_start3A_40 = tpu.memref_slice %arg10[%add3A_19, %dma_start3A] : memref<10240x80xf32, #tpu.memory_space<vmem_shared>> -> memref<128x80xf32, #tpu.memory_space<vmem_shared>>
      %dma_start3A_41 = arith.constant 0 : i32
      %dma_start3A_42 = tpu.memref_slice %arg10[%add3A_19, %dma_start3A_41] : memref<10240x80xf32, #tpu.memory_space<vmem_shared>> -> memref<128x80xf32, #tpu.memory_space<vmem_shared>>
      tpu.enqueue_dma source(%arg9 : memref<128x80xf32, #tpu.memory_space<vmem>>) target(%dma_start3A_42 : memref<128x80xf32, #tpu.memory_space<vmem_shared>>) target_semaphore(%run_scoped3A : memref<!tpu.dma_semaphore, #tpu.memory_space<semaphore_mem>>)
      %dma_wait3A = arith.constant 0 : i32
      %dma_wait3A_43 = tpu.memref_slice %arg10[%add3A_19, %dma_wait3A] : memref<10240x80xf32, #tpu.memory_space<vmem_shared>> -> memref<128x80xf32, #tpu.memory_space<vmem_shared>>
      %dma_wait3A_44 = arith.constant 0 : i32
      %dma_wait3A_45 = tpu.memref_slice %arg10[%add3A_19, %dma_wait3A_44] : memref<10240x80xf32, #tpu.memory_space<vmem_shared>> -> memref<128x80xf32, #tpu.memory_space<vmem_shared>>
      tpu.wait_dma2 semaphore(%run_scoped3A : memref<!tpu.dma_semaphore, #tpu.memory_space<semaphore_mem>>) src(%arg9 : memref<128x80xf32, #tpu.memory_space<vmem>>) dst(%dma_wait3A_45 : memref<128x80xf32, #tpu.memory_space<vmem_shared>>)
      tpu.yield
    }) : () -> ()
    %mul3A_20 = arith.constant 640 : i32
    %mul3A_21 = arith.muli %arg1, %mul3A_20 : i32
    %add3A_22 = arith.constant 384 : i32
    %add3A_23 = arith.addi %mul3A_21, %add3A_22 : i32
    "tpu.region"() ({
      %run_scoped3A = tpu.sem_alloc : memref<!tpu.dma_semaphore, #tpu.memory_space<semaphore_mem>>
      %dma_start3A = arith.constant 0 : i32
      %dma_start3A_40 = tpu.memref_slice %arg10[%add3A_23, %dma_start3A] : memref<10240x80xf32, #tpu.memory_space<vmem_shared>> -> memref<128x80xf32, #tpu.memory_space<vmem_shared>>
      %dma_start3A_41 = arith.constant 0 : i32
      %dma_start3A_42 = tpu.memref_slice %arg10[%add3A_23, %dma_start3A_41] : memref<10240x80xf32, #tpu.memory_space<vmem_shared>> -> memref<128x80xf32, #tpu.memory_space<vmem_shared>>
      tpu.enqueue_dma source(%arg9 : memref<128x80xf32, #tpu.memory_space<vmem>>) target(%dma_start3A_42 : memref<128x80xf32, #tpu.memory_space<vmem_shared>>) target_semaphore(%run_scoped3A : memref<!tpu.dma_semaphore, #tpu.memory_space<semaphore_mem>>)
      %dma_wait3A = arith.constant 0 : i32
      %dma_wait3A_43 = tpu.memref_slice %arg10[%add3A_23, %dma_wait3A] : memref<10240x80xf32, #tpu.memory_space<vmem_shared>> -> memref<128x80xf32, #tpu.memory_space<vmem_shared>>
      %dma_wait3A_44 = arith.constant 0 : i32
      %dma_wait3A_45 = tpu.memref_slice %arg10[%add3A_23, %dma_wait3A_44] : memref<10240x80xf32, #tpu.memory_space<vmem_shared>> -> memref<128x80xf32, #tpu.memory_space<vmem_shared>>
      tpu.wait_dma2 semaphore(%run_scoped3A : memref<!tpu.dma_semaphore, #tpu.memory_space<semaphore_mem>>) src(%arg9 : memref<128x80xf32, #tpu.memory_space<vmem>>) dst(%dma_wait3A_45 : memref<128x80xf32, #tpu.memory_space<vmem_shared>>)
      tpu.yield
    }) : () -> ()
    %mul3A_24 = arith.constant 640 : i32
    %mul3A_25 = arith.muli %arg1, %mul3A_24 : i32
    %add3A_26 = arith.constant 512 : i32
    %add3A_27 = arith.addi %mul3A_25, %add3A_26 : i32
    "tpu.region"() ({
      %run_scoped3A = tpu.sem_alloc : memref<!tpu.dma_semaphore, #tpu.memory_space<semaphore_mem>>
      %dma_start3A = arith.constant 0 : i32
      %dma_start3A_40 = tpu.memref_slice %arg10[%add3A_27, %dma_start3A] : memref<10240x80xf32, #tpu.memory_space<vmem_shared>> -> memref<128x80xf32, #tpu.memory_space<vmem_shared>>
      %dma_start3A_41 = arith.constant 0 : i32
      %dma_start3A_42 = tpu.memref_slice %arg10[%add3A_27, %dma_start3A_41] : memref<10240x80xf32, #tpu.memory_space<vmem_shared>> -> memref<128x80xf32, #tpu.memory_space<vmem_shared>>
      tpu.enqueue_dma source(%arg9 : memref<128x80xf32, #tpu.memory_space<vmem>>) target(%dma_start3A_42 : memref<128x80xf32, #tpu.memory_space<vmem_shared>>) target_semaphore(%run_scoped3A : memref<!tpu.dma_semaphore, #tpu.memory_space<semaphore_mem>>)
      %dma_wait3A = arith.constant 0 : i32
      %dma_wait3A_43 = tpu.memref_slice %arg10[%add3A_27, %dma_wait3A] : memref<10240x80xf32, #tpu.memory_space<vmem_shared>> -> memref<128x80xf32, #tpu.memory_space<vmem_shared>>
      %dma_wait3A_44 = arith.constant 0 : i32
      %dma_wait3A_45 = tpu.memref_slice %arg10[%add3A_27, %dma_wait3A_44] : memref<10240x80xf32, #tpu.memory_space<vmem_shared>> -> memref<128x80xf32, #tpu.memory_space<vmem_shared>>
      tpu.wait_dma2 semaphore(%run_scoped3A : memref<!tpu.dma_semaphore, #tpu.memory_space<semaphore_mem>>) src(%arg9 : memref<128x80xf32, #tpu.memory_space<vmem>>) dst(%dma_wait3A_45 : memref<128x80xf32, #tpu.memory_space<vmem_shared>>)
      tpu.yield
    }) : () -> ()
    %barrier3A = arith.constant 0 : index
    tpu.barrier barrier_id(%barrier3A)
    %scan3A_28 = arith.constant 0 : i32
    %scan3A_29 = arith.constant 0 : i32
    %scan3A_30 = arith.constant 79 : i32
    %scan3A_31 = arith.addi %scan3A_29, %scan3A_30 : i32
    %scan3A_32 = arith.constant 1 : i32
    %scan3A_33 = scf.for %scan3A_40 = %scan3A_29 to %scan3A_31 step %scan3A_32 iter_args(%scan3A_41 = %scan3A_28) -> (i32)  : i32 {
      %dma_start3A = arith.constant 0 : i32
      %dma_start3A_42 = tpu.memref_slice %arg6[%scan3A_40, %dma_start3A] : memref<79x128xi32, #tpu.memory_space<vmem>> -> memref<1x128xi32, #tpu.memory_space<vmem>>
      %dma_start3A_43 = tpu.memref_squeeze %dma_start3A_42 : memref<1x128xi32, #tpu.memory_space<vmem>> -> memref<128xi32, #tpu.memory_space<vmem>>
      %dma_start3A_44 = arith.constant 0 : i32
      %dma_start3A_45 = arith.constant 0 : i32
      %dma_start3A_46 = tpu.memref_slice %arg2[%dma_start3A_44, %dma_start3A_45] : memref<10240x80xf32, #tpu.memory_space<hbm>> -> memref<10240x80xf32, #tpu.memory_space<hbm>>
      tpu.enqueue_indirect_dma source(%dma_start3A_46 : memref<10240x80xf32, #tpu.memory_space<hbm>>) target(%arg8 : memref<128x80xf32, #tpu.memory_space<vmem>>) offsets(%dma_start3A_43 : memref<128xi32, #tpu.memory_space<vmem>>) semaphore(%arg11 : memref<!tpu.dma_semaphore, #tpu.memory_space<semaphore_mem>>)
      %dma_wait3A = arith.constant 0 : i32
      %dma_wait3A_47 = tpu.memref_slice %arg6[%scan3A_40, %dma_wait3A] : memref<79x128xi32, #tpu.memory_space<vmem>> -> memref<1x128xi32, #tpu.memory_space<vmem>>
      %dma_wait3A_48 = tpu.memref_squeeze %dma_wait3A_47 : memref<1x128xi32, #tpu.memory_space<vmem>> -> memref<128xi32, #tpu.memory_space<vmem>>
      %dma_wait3A_49 = arith.constant 0 : i32
      %dma_wait3A_50 = arith.constant 0 : i32
      %dma_wait3A_51 = tpu.memref_slice %arg2[%dma_wait3A_49, %dma_wait3A_50] : memref<10240x80xf32, #tpu.memory_space<hbm>> -> memref<10240x80xf32, #tpu.memory_space<hbm>>
      tpu.wait_indirect_dma semaphore(%arg11 : memref<!tpu.dma_semaphore, #tpu.memory_space<semaphore_mem>>) src(%dma_wait3A_51 : memref<10240x80xf32, #tpu.memory_space<hbm>>) dst(%arg8 : memref<128x80xf32, #tpu.memory_space<vmem>>)
      "tpu.region"() ({
        %run_scoped3A = tpu.sem_alloc : memref<!tpu.dma_semaphore, #tpu.memory_space<semaphore_mem>>
        %dma_start3A_53 = arith.constant 0 : i32
        %dma_start3A_54 = tpu.memref_slice %arg7[%scan3A_40, %dma_start3A_53] : memref<79x128xi32, #tpu.memory_space<vmem>> -> memref<1x128xi32, #tpu.memory_space<vmem>>
        %dma_start3A_55 = tpu.memref_squeeze %dma_start3A_54 : memref<1x128xi32, #tpu.memory_space<vmem>> -> memref<128xi32, #tpu.memory_space<vmem>>
        %dma_start3A_56 = arith.constant 0 : i32
        %dma_start3A_57 = arith.constant 0 : i32
        %dma_start3A_58 = tpu.memref_slice %arg10[%dma_start3A_56, %dma_start3A_57] : memref<10240x80xf32, #tpu.memory_space<vmem_shared>> -> memref<10240x80xf32, #tpu.memory_space<vmem_shared>>
        tpu.enqueue_indirect_dma source(%arg8 : memref<128x80xf32, #tpu.memory_space<vmem>>) target(%dma_start3A_58 : memref<10240x80xf32, #tpu.memory_space<vmem_shared>>) offsets(%dma_start3A_55 : memref<128xi32, #tpu.memory_space<vmem>>) semaphore(%run_scoped3A : memref<!tpu.dma_semaphore, #tpu.memory_space<semaphore_mem>>) {add = true}
        %dma_wait3A_59 = arith.constant 0 : i32
        %dma_wait3A_60 = tpu.memref_slice %arg7[%scan3A_40, %dma_wait3A_59] : memref<79x128xi32, #tpu.memory_space<vmem>> -> memref<1x128xi32, #tpu.memory_space<vmem>>
        %dma_wait3A_61 = tpu.memref_squeeze %dma_wait3A_60 : memref<1x128xi32, #tpu.memory_space<vmem>> -> memref<128xi32, #tpu.memory_space<vmem>>
        %dma_wait3A_62 = arith.constant 0 : i32
        %dma_wait3A_63 = arith.constant 0 : i32
        %dma_wait3A_64 = tpu.memref_slice %arg10[%dma_wait3A_62, %dma_wait3A_63] : memref<10240x80xf32, #tpu.memory_space<vmem_shared>> -> memref<10240x80xf32, #tpu.memory_space<vmem_shared>>
        tpu.wait_indirect_dma semaphore(%run_scoped3A : memref<!tpu.dma_semaphore, #tpu.memory_space<semaphore_mem>>) src(%arg8 : memref<128x80xf32, #tpu.memory_space<vmem>>) dst(%dma_wait3A_64 : memref<10240x80xf32, #tpu.memory_space<vmem_shared>>)
        tpu.yield
      }) : () -> ()
      %scan3A_52 = arith.constant 0 : i32
      scf.yield %scan3A_52 : i32
    }
    %scan3A_34 = arith.constant 79 : i32
    %barrier3A_35 = arith.constant 0 : index
    tpu.barrier barrier_id(%barrier3A_35)
    %mul3A_36 = arith.constant 640 : i32
    %mul3A_37 = arith.muli %arg1, %mul3A_36 : i32
    %mul3A_38 = arith.constant 640 : i32
    %mul3A_39 = arith.muli %arg1, %mul3A_38 : i32
    "tpu.region"() ({
      %run_scoped3A = tpu.sem_alloc : memref<!tpu.dma_semaphore, #tpu.memory_space<semaphore_mem>>
      %dma_start3A = arith.constant 0 : i32
      %dma_start3A_40 = tpu.memref_slice %arg5[%arg0, %mul3A_39, %dma_start3A] : memref<2x10240x80xf32, #tpu.memory_space<hbm>> -> memref<1x640x80xf32, #tpu.memory_space<hbm>>
      %dma_start3A_41 = tpu.memref_squeeze %dma_start3A_40 : memref<1x640x80xf32, #tpu.memory_space<hbm>> -> memref<640x80xf32, #tpu.memory_space<hbm>>
      %dma_start3A_42 = arith.constant 0 : i32
      %dma_start3A_43 = tpu.memref_slice %arg10[%mul3A_37, %dma_start3A_42] : memref<10240x80xf32, #tpu.memory_space<vmem_shared>> -> memref<640x80xf32, #tpu.memory_space<vmem_shared>>
      tpu.enqueue_dma source(%dma_start3A_43 : memref<640x80xf32, #tpu.memory_space<vmem_shared>>) target(%dma_start3A_41 : memref<640x80xf32, #tpu.memory_space<hbm>>) target_semaphore(%run_scoped3A : memref<!tpu.dma_semaphore, #tpu.memory_space<semaphore_mem>>)
      %dma_wait3A = arith.constant 0 : i32
      %dma_wait3A_44 = tpu.memref_slice %arg5[%arg0, %mul3A_39, %dma_wait3A] : memref<2x10240x80xf32, #tpu.memory_space<hbm>> -> memref<1x640x80xf32, #tpu.memory_space<hbm>>
      %dma_wait3A_45 = tpu.memref_squeeze %dma_wait3A_44 : memref<1x640x80xf32, #tpu.memory_space<hbm>> -> memref<640x80xf32, #tpu.memory_space<hbm>>
      %dma_wait3A_46 = arith.constant 0 : i32
      %dma_wait3A_47 = tpu.memref_slice %arg10[%mul3A_37, %dma_wait3A_46] : memref<10240x80xf32, #tpu.memory_space<vmem_shared>> -> memref<640x80xf32, #tpu.memory_space<vmem_shared>>
      tpu.wait_dma2 semaphore(%run_scoped3A : memref<!tpu.dma_semaphore, #tpu.memory_space<semaphore_mem>>) src(%dma_wait3A_47 : memref<640x80xf32, #tpu.memory_space<vmem_shared>>) dst(%dma_wait3A_45 : memref<640x80xf32, #tpu.memory_space<hbm>>)
      tpu.yield
    }) : () -> ()
    return
  }
}

#map = affine_map<(d0, d1) -> (0, 0)>
#map1 = affine_map<(d0, d1) -> (0, 0, 0)>
module attributes {stable_mosaic.version = 14 : i64} {
  func.func @segsum(%arg0: i32, %arg1: i32, %arg2: memref<10240x32xf32, #tpu.memory_space<hbm>>, %arg3: memref<32x79x128xi32, #tpu.memory_space<hbm>>, %arg4: memref<32x79x128xi32, #tpu.memory_space<hbm>>, %arg5: memref<2x10240x32xf32, #tpu.memory_space<hbm>>, %arg6: memref<79x128xi32, #tpu.memory_space<vmem>>, %arg7: memref<79x128xi32, #tpu.memory_space<vmem>>, %arg8: memref<128x32xf32, #tpu.memory_space<vmem>>, %arg9: memref<128x32xf32, #tpu.memory_space<vmem>>, %arg10: memref<10240x32xf32, #tpu.memory_space<vmem_shared>>, %arg11: memref<!tpu.dma_semaphore, #tpu.memory_space<semaphore_mem>>) attributes {dimension_semantics = [#tpu.dimension_semantics<core_parallel>, #tpu.dimension_semantics<subcore_parallel>], iteration_bounds = array<i64: 2, 16>, scalar_prefetch = 0 : i64, scratch_operands = 6 : i64, tpu.core_type = #tpu.core_type<sc_vector_subcore>, window_params = [{transform_indices = #map}, {transform_indices = #map1}, {transform_indices = #map1}, {transform_indices = #map1}]} {
    %mul3A = arith.constant 2 : i32
    %mul3A_0 = arith.muli %arg1, %mul3A : i32
    %add3A = arith.addi %mul3A_0, %arg0 : i32
    "tpu.region"() ({
      %run_scoped3A = tpu.sem_alloc : memref<!tpu.dma_semaphore, #tpu.memory_space<semaphore_mem>>
      %dma_start3A = arith.constant 0 : i32
      %dma_start3A_40 = arith.constant 0 : i32
      %dma_start3A_41 = tpu.memref_slice %arg3[%add3A, %dma_start3A, %dma_start3A_40] : memref<32x79x128xi32, #tpu.memory_space<hbm>> -> memref<1x79x128xi32, #tpu.memory_space<hbm>>
      %dma_start3A_42 = tpu.memref_squeeze %dma_start3A_41 : memref<1x79x128xi32, #tpu.memory_space<hbm>> -> memref<79x128xi32, #tpu.memory_space<hbm>>
      %dma_start3A_43 = arith.constant 0 : i32
      %dma_start3A_44 = arith.constant 0 : i32
      %dma_start3A_45 = tpu.memref_slice %arg3[%add3A, %dma_start3A_43, %dma_start3A_44] : memref<32x79x128xi32, #tpu.memory_space<hbm>> -> memref<1x79x128xi32, #tpu.memory_space<hbm>>
      %dma_start3A_46 = tpu.memref_squeeze %dma_start3A_45 : memref<1x79x128xi32, #tpu.memory_space<hbm>> -> memref<79x128xi32, #tpu.memory_space<hbm>>
      tpu.enqueue_dma source(%dma_start3A_46 : memref<79x128xi32, #tpu.memory_space<hbm>>) target(%arg6 : memref<79x128xi32, #tpu.memory_space<vmem>>) target_semaphore(%run_scoped3A : memref<!tpu.dma_semaphore, #tpu.memory_space<semaphore_mem>>)
      %dma_wait3A = arith.constant 0 : i32
      %dma_wait3A_47 = arith.constant 0 : i32
      %dma_wait3A_48 = tpu.memref_slice %arg3[%add3A, %dma_wait3A, %dma_wait3A_47] : memref<32x79x128xi32, #tpu.memory_space<hbm>> -> memref<1x79x128xi32, #tpu.memory_space<hbm>>
      %dma_wait3A_49 = tpu.memref_squeeze %dma_wait3A_48 : memref<1x79x128xi32, #tpu.memory_space<hbm>> -> memref<79x128xi32, #tpu.memory_space<hbm>>
      %dma_wait3A_50 = arith.constant 0 : i32
      %dma_wait3A_51 = arith.constant 0 : i32
      %dma_wait3A_52 = tpu.memref_slice %arg3[%add3A, %dma_wait3A_50, %dma_wait3A_51] : memref<32x79x128xi32, #tpu.memory_space<hbm>> -> memref<1x79x128xi32, #tpu.memory_space<hbm>>
      %dma_wait3A_53 = tpu.memref_squeeze %dma_wait3A_52 : memref<1x79x128xi32, #tpu.memory_space<hbm>> -> memref<79x128xi32, #tpu.memory_space<hbm>>
      tpu.wait_dma2 semaphore(%run_scoped3A : memref<!tpu.dma_semaphore, #tpu.memory_space<semaphore_mem>>) src(%dma_wait3A_53 : memref<79x128xi32, #tpu.memory_space<hbm>>) dst(%arg6 : memref<79x128xi32, #tpu.memory_space<vmem>>)
      tpu.yield
    }) : () -> ()
    "tpu.region"() ({
      %run_scoped3A = tpu.sem_alloc : memref<!tpu.dma_semaphore, #tpu.memory_space<semaphore_mem>>
      %dma_start3A = arith.constant 0 : i32
      %dma_start3A_40 = arith.constant 0 : i32
      %dma_start3A_41 = tpu.memref_slice %arg4[%add3A, %dma_start3A, %dma_start3A_40] : memref<32x79x128xi32, #tpu.memory_space<hbm>> -> memref<1x79x128xi32, #tpu.memory_space<hbm>>
      %dma_start3A_42 = tpu.memref_squeeze %dma_start3A_41 : memref<1x79x128xi32, #tpu.memory_space<hbm>> -> memref<79x128xi32, #tpu.memory_space<hbm>>
      %dma_start3A_43 = arith.constant 0 : i32
      %dma_start3A_44 = arith.constant 0 : i32
      %dma_start3A_45 = tpu.memref_slice %arg4[%add3A, %dma_start3A_43, %dma_start3A_44] : memref<32x79x128xi32, #tpu.memory_space<hbm>> -> memref<1x79x128xi32, #tpu.memory_space<hbm>>
      %dma_start3A_46 = tpu.memref_squeeze %dma_start3A_45 : memref<1x79x128xi32, #tpu.memory_space<hbm>> -> memref<79x128xi32, #tpu.memory_space<hbm>>
      tpu.enqueue_dma source(%dma_start3A_46 : memref<79x128xi32, #tpu.memory_space<hbm>>) target(%arg7 : memref<79x128xi32, #tpu.memory_space<vmem>>) target_semaphore(%run_scoped3A : memref<!tpu.dma_semaphore, #tpu.memory_space<semaphore_mem>>)
      %dma_wait3A = arith.constant 0 : i32
      %dma_wait3A_47 = arith.constant 0 : i32
      %dma_wait3A_48 = tpu.memref_slice %arg4[%add3A, %dma_wait3A, %dma_wait3A_47] : memref<32x79x128xi32, #tpu.memory_space<hbm>> -> memref<1x79x128xi32, #tpu.memory_space<hbm>>
      %dma_wait3A_49 = tpu.memref_squeeze %dma_wait3A_48 : memref<1x79x128xi32, #tpu.memory_space<hbm>> -> memref<79x128xi32, #tpu.memory_space<hbm>>
      %dma_wait3A_50 = arith.constant 0 : i32
      %dma_wait3A_51 = arith.constant 0 : i32
      %dma_wait3A_52 = tpu.memref_slice %arg4[%add3A, %dma_wait3A_50, %dma_wait3A_51] : memref<32x79x128xi32, #tpu.memory_space<hbm>> -> memref<1x79x128xi32, #tpu.memory_space<hbm>>
      %dma_wait3A_53 = tpu.memref_squeeze %dma_wait3A_52 : memref<1x79x128xi32, #tpu.memory_space<hbm>> -> memref<79x128xi32, #tpu.memory_space<hbm>>
      tpu.wait_dma2 semaphore(%run_scoped3A : memref<!tpu.dma_semaphore, #tpu.memory_space<semaphore_mem>>) src(%dma_wait3A_53 : memref<79x128xi32, #tpu.memory_space<hbm>>) dst(%arg7 : memref<79x128xi32, #tpu.memory_space<vmem>>)
      tpu.yield
    }) : () -> ()
    %broadcast_in_dim3A = arith.constant 0.000000e+00 : f32
    %broadcast_in_dim3A_1 = vector.broadcast %broadcast_in_dim3A : f32 to vector<16xf32>
    %scan3A = arith.constant 0 : i32
    %scan3A_2 = arith.constant 0 : i32
    %scan3A_3 = arith.constant 128 : i32
    %scan3A_4 = arith.addi %scan3A_2, %scan3A_3 : i32
    %scan3A_5 = arith.constant 1 : i32
    %scan3A_6 = scf.for %scan3A_40 = %scan3A_2 to %scan3A_4 step %scan3A_5 iter_args(%scan3A_41 = %scan3A) -> (i32)  : i32 {
      %swap3A = arith.index_cast %scan3A_40 : i32 to index
      %swap3A_42 = arith.constant 0 : index
      %swap3A_43 = tpu.vector_load %arg9[%swap3A, %swap3A_42] {strides = array<i32>} : memref<128x32xf32, #tpu.memory_space<vmem>>, vector<1x16xf32>,
      %swap3A_44 = vector.shape_cast %swap3A_43 : vector<1x16xf32> to vector<16xf32>
      %swap3A_45 = vector.shape_cast %broadcast_in_dim3A_1 : vector<16xf32> to vector<1x16xf32>
      tpu.vector_store %arg9[%swap3A, %swap3A_42], %swap3A_45 {strides = array<i32>} : memref<128x32xf32, #tpu.memory_space<vmem>>, vector<1x16xf32>,
      %swap3A_46 = arith.index_cast %scan3A_40 : i32 to index
      %swap3A_47 = arith.constant 16 : index
      %swap3A_48 = tpu.vector_load %arg9[%swap3A_46, %swap3A_47] {strides = array<i32>} : memref<128x32xf32, #tpu.memory_space<vmem>>, vector<1x16xf32>,
      %swap3A_49 = vector.shape_cast %swap3A_48 : vector<1x16xf32> to vector<16xf32>
      %swap3A_50 = vector.shape_cast %broadcast_in_dim3A_1 : vector<16xf32> to vector<1x16xf32>
      tpu.vector_store %arg9[%swap3A_46, %swap3A_47], %swap3A_50 {strides = array<i32>} : memref<128x32xf32, #tpu.memory_space<vmem>>, vector<1x16xf32>,
      %scan3A_51 = arith.constant 0 : i32
      scf.yield %scan3A_51 : i32
    }
    %scan3A_7 = arith.constant 128 : i32
    %mul3A_8 = arith.constant 640 : i32
    %mul3A_9 = arith.muli %arg1, %mul3A_8 : i32
    %add3A_10 = arith.constant 0 : i32
    %add3A_11 = arith.addi %mul3A_9, %add3A_10 : i32
    "tpu.region"() ({
      %run_scoped3A = tpu.sem_alloc : memref<!tpu.dma_semaphore, #tpu.memory_space<semaphore_mem>>
      %dma_start3A = arith.constant 0 : i32
      %dma_start3A_40 = tpu.memref_slice %arg10[%add3A_11, %dma_start3A] : memref<10240x32xf32, #tpu.memory_space<vmem_shared>> -> memref<128x32xf32, #tpu.memory_space<vmem_shared>>
      %dma_start3A_41 = arith.constant 0 : i32
      %dma_start3A_42 = tpu.memref_slice %arg10[%add3A_11, %dma_start3A_41] : memref<10240x32xf32, #tpu.memory_space<vmem_shared>> -> memref<128x32xf32, #tpu.memory_space<vmem_shared>>
      tpu.enqueue_dma source(%arg9 : memref<128x32xf32, #tpu.memory_space<vmem>>) target(%dma_start3A_42 : memref<128x32xf32, #tpu.memory_space<vmem_shared>>) target_semaphore(%run_scoped3A : memref<!tpu.dma_semaphore, #tpu.memory_space<semaphore_mem>>)
      %dma_wait3A = arith.constant 0 : i32
      %dma_wait3A_43 = tpu.memref_slice %arg10[%add3A_11, %dma_wait3A] : memref<10240x32xf32, #tpu.memory_space<vmem_shared>> -> memref<128x32xf32, #tpu.memory_space<vmem_shared>>
      %dma_wait3A_44 = arith.constant 0 : i32
      %dma_wait3A_45 = tpu.memref_slice %arg10[%add3A_11, %dma_wait3A_44] : memref<10240x32xf32, #tpu.memory_space<vmem_shared>> -> memref<128x32xf32, #tpu.memory_space<vmem_shared>>
      tpu.wait_dma2 semaphore(%run_scoped3A : memref<!tpu.dma_semaphore, #tpu.memory_space<semaphore_mem>>) src(%arg9 : memref<128x32xf32, #tpu.memory_space<vmem>>) dst(%dma_wait3A_45 : memref<128x32xf32, #tpu.memory_space<vmem_shared>>)
      tpu.yield
    }) : () -> ()
    %mul3A_12 = arith.constant 640 : i32
    %mul3A_13 = arith.muli %arg1, %mul3A_12 : i32
    %add3A_14 = arith.constant 128 : i32
    %add3A_15 = arith.addi %mul3A_13, %add3A_14 : i32
    "tpu.region"() ({
      %run_scoped3A = tpu.sem_alloc : memref<!tpu.dma_semaphore, #tpu.memory_space<semaphore_mem>>
      %dma_start3A = arith.constant 0 : i32
      %dma_start3A_40 = tpu.memref_slice %arg10[%add3A_15, %dma_start3A] : memref<10240x32xf32, #tpu.memory_space<vmem_shared>> -> memref<128x32xf32, #tpu.memory_space<vmem_shared>>
      %dma_start3A_41 = arith.constant 0 : i32
      %dma_start3A_42 = tpu.memref_slice %arg10[%add3A_15, %dma_start3A_41] : memref<10240x32xf32, #tpu.memory_space<vmem_shared>> -> memref<128x32xf32, #tpu.memory_space<vmem_shared>>
      tpu.enqueue_dma source(%arg9 : memref<128x32xf32, #tpu.memory_space<vmem>>) target(%dma_start3A_42 : memref<128x32xf32, #tpu.memory_space<vmem_shared>>) target_semaphore(%run_scoped3A : memref<!tpu.dma_semaphore, #tpu.memory_space<semaphore_mem>>)
      %dma_wait3A = arith.constant 0 : i32
      %dma_wait3A_43 = tpu.memref_slice %arg10[%add3A_15, %dma_wait3A] : memref<10240x32xf32, #tpu.memory_space<vmem_shared>> -> memref<128x32xf32, #tpu.memory_space<vmem_shared>>
      %dma_wait3A_44 = arith.constant 0 : i32
      %dma_wait3A_45 = tpu.memref_slice %arg10[%add3A_15, %dma_wait3A_44] : memref<10240x32xf32, #tpu.memory_space<vmem_shared>> -> memref<128x32xf32, #tpu.memory_space<vmem_shared>>
      tpu.wait_dma2 semaphore(%run_scoped3A : memref<!tpu.dma_semaphore, #tpu.memory_space<semaphore_mem>>) src(%arg9 : memref<128x32xf32, #tpu.memory_space<vmem>>) dst(%dma_wait3A_45 : memref<128x32xf32, #tpu.memory_space<vmem_shared>>)
      tpu.yield
    }) : () -> ()
    %mul3A_16 = arith.constant 640 : i32
    %mul3A_17 = arith.muli %arg1, %mul3A_16 : i32
    %add3A_18 = arith.constant 256 : i32
    %add3A_19 = arith.addi %mul3A_17, %add3A_18 : i32
    "tpu.region"() ({
      %run_scoped3A = tpu.sem_alloc : memref<!tpu.dma_semaphore, #tpu.memory_space<semaphore_mem>>
      %dma_start3A = arith.constant 0 : i32
      %dma_start3A_40 = tpu.memref_slice %arg10[%add3A_19, %dma_start3A] : memref<10240x32xf32, #tpu.memory_space<vmem_shared>> -> memref<128x32xf32, #tpu.memory_space<vmem_shared>>
      %dma_start3A_41 = arith.constant 0 : i32
      %dma_start3A_42 = tpu.memref_slice %arg10[%add3A_19, %dma_start3A_41] : memref<10240x32xf32, #tpu.memory_space<vmem_shared>> -> memref<128x32xf32, #tpu.memory_space<vmem_shared>>
      tpu.enqueue_dma source(%arg9 : memref<128x32xf32, #tpu.memory_space<vmem>>) target(%dma_start3A_42 : memref<128x32xf32, #tpu.memory_space<vmem_shared>>) target_semaphore(%run_scoped3A : memref<!tpu.dma_semaphore, #tpu.memory_space<semaphore_mem>>)
      %dma_wait3A = arith.constant 0 : i32
      %dma_wait3A_43 = tpu.memref_slice %arg10[%add3A_19, %dma_wait3A] : memref<10240x32xf32, #tpu.memory_space<vmem_shared>> -> memref<128x32xf32, #tpu.memory_space<vmem_shared>>
      %dma_wait3A_44 = arith.constant 0 : i32
      %dma_wait3A_45 = tpu.memref_slice %arg10[%add3A_19, %dma_wait3A_44] : memref<10240x32xf32, #tpu.memory_space<vmem_shared>> -> memref<128x32xf32, #tpu.memory_space<vmem_shared>>
      tpu.wait_dma2 semaphore(%run_scoped3A : memref<!tpu.dma_semaphore, #tpu.memory_space<semaphore_mem>>) src(%arg9 : memref<128x32xf32, #tpu.memory_space<vmem>>) dst(%dma_wait3A_45 : memref<128x32xf32, #tpu.memory_space<vmem_shared>>)
      tpu.yield
    }) : () -> ()
    %mul3A_20 = arith.constant 640 : i32
    %mul3A_21 = arith.muli %arg1, %mul3A_20 : i32
    %add3A_22 = arith.constant 384 : i32
    %add3A_23 = arith.addi %mul3A_21, %add3A_22 : i32
    "tpu.region"() ({
      %run_scoped3A = tpu.sem_alloc : memref<!tpu.dma_semaphore, #tpu.memory_space<semaphore_mem>>
      %dma_start3A = arith.constant 0 : i32
      %dma_start3A_40 = tpu.memref_slice %arg10[%add3A_23, %dma_start3A] : memref<10240x32xf32, #tpu.memory_space<vmem_shared>> -> memref<128x32xf32, #tpu.memory_space<vmem_shared>>
      %dma_start3A_41 = arith.constant 0 : i32
      %dma_start3A_42 = tpu.memref_slice %arg10[%add3A_23, %dma_start3A_41] : memref<10240x32xf32, #tpu.memory_space<vmem_shared>> -> memref<128x32xf32, #tpu.memory_space<vmem_shared>>
      tpu.enqueue_dma source(%arg9 : memref<128x32xf32, #tpu.memory_space<vmem>>) target(%dma_start3A_42 : memref<128x32xf32, #tpu.memory_space<vmem_shared>>) target_semaphore(%run_scoped3A : memref<!tpu.dma_semaphore, #tpu.memory_space<semaphore_mem>>)
      %dma_wait3A = arith.constant 0 : i32
      %dma_wait3A_43 = tpu.memref_slice %arg10[%add3A_23, %dma_wait3A] : memref<10240x32xf32, #tpu.memory_space<vmem_shared>> -> memref<128x32xf32, #tpu.memory_space<vmem_shared>>
      %dma_wait3A_44 = arith.constant 0 : i32
      %dma_wait3A_45 = tpu.memref_slice %arg10[%add3A_23, %dma_wait3A_44] : memref<10240x32xf32, #tpu.memory_space<vmem_shared>> -> memref<128x32xf32, #tpu.memory_space<vmem_shared>>
      tpu.wait_dma2 semaphore(%run_scoped3A : memref<!tpu.dma_semaphore, #tpu.memory_space<semaphore_mem>>) src(%arg9 : memref<128x32xf32, #tpu.memory_space<vmem>>) dst(%dma_wait3A_45 : memref<128x32xf32, #tpu.memory_space<vmem_shared>>)
      tpu.yield
    }) : () -> ()
    %mul3A_24 = arith.constant 640 : i32
    %mul3A_25 = arith.muli %arg1, %mul3A_24 : i32
    %add3A_26 = arith.constant 512 : i32
    %add3A_27 = arith.addi %mul3A_25, %add3A_26 : i32
    "tpu.region"() ({
      %run_scoped3A = tpu.sem_alloc : memref<!tpu.dma_semaphore, #tpu.memory_space<semaphore_mem>>
      %dma_start3A = arith.constant 0 : i32
      %dma_start3A_40 = tpu.memref_slice %arg10[%add3A_27, %dma_start3A] : memref<10240x32xf32, #tpu.memory_space<vmem_shared>> -> memref<128x32xf32, #tpu.memory_space<vmem_shared>>
      %dma_start3A_41 = arith.constant 0 : i32
      %dma_start3A_42 = tpu.memref_slice %arg10[%add3A_27, %dma_start3A_41] : memref<10240x32xf32, #tpu.memory_space<vmem_shared>> -> memref<128x32xf32, #tpu.memory_space<vmem_shared>>
      tpu.enqueue_dma source(%arg9 : memref<128x32xf32, #tpu.memory_space<vmem>>) target(%dma_start3A_42 : memref<128x32xf32, #tpu.memory_space<vmem_shared>>) target_semaphore(%run_scoped3A : memref<!tpu.dma_semaphore, #tpu.memory_space<semaphore_mem>>)
      %dma_wait3A = arith.constant 0 : i32
      %dma_wait3A_43 = tpu.memref_slice %arg10[%add3A_27, %dma_wait3A] : memref<10240x32xf32, #tpu.memory_space<vmem_shared>> -> memref<128x32xf32, #tpu.memory_space<vmem_shared>>
      %dma_wait3A_44 = arith.constant 0 : i32
      %dma_wait3A_45 = tpu.memref_slice %arg10[%add3A_27, %dma_wait3A_44] : memref<10240x32xf32, #tpu.memory_space<vmem_shared>> -> memref<128x32xf32, #tpu.memory_space<vmem_shared>>
      tpu.wait_dma2 semaphore(%run_scoped3A : memref<!tpu.dma_semaphore, #tpu.memory_space<semaphore_mem>>) src(%arg9 : memref<128x32xf32, #tpu.memory_space<vmem>>) dst(%dma_wait3A_45 : memref<128x32xf32, #tpu.memory_space<vmem_shared>>)
      tpu.yield
    }) : () -> ()
    %barrier3A = arith.constant 0 : index
    tpu.barrier barrier_id(%barrier3A)
    %scan3A_28 = arith.constant 0 : i32
    %scan3A_29 = arith.constant 0 : i32
    %scan3A_30 = arith.constant 79 : i32
    %scan3A_31 = arith.addi %scan3A_29, %scan3A_30 : i32
    %scan3A_32 = arith.constant 1 : i32
    %scan3A_33 = scf.for %scan3A_40 = %scan3A_29 to %scan3A_31 step %scan3A_32 iter_args(%scan3A_41 = %scan3A_28) -> (i32)  : i32 {
      %dma_start3A = arith.constant 0 : i32
      %dma_start3A_42 = tpu.memref_slice %arg6[%scan3A_40, %dma_start3A] : memref<79x128xi32, #tpu.memory_space<vmem>> -> memref<1x128xi32, #tpu.memory_space<vmem>>
      %dma_start3A_43 = tpu.memref_squeeze %dma_start3A_42 : memref<1x128xi32, #tpu.memory_space<vmem>> -> memref<128xi32, #tpu.memory_space<vmem>>
      %dma_start3A_44 = arith.constant 0 : i32
      %dma_start3A_45 = arith.constant 0 : i32
      %dma_start3A_46 = tpu.memref_slice %arg2[%dma_start3A_44, %dma_start3A_45] : memref<10240x32xf32, #tpu.memory_space<hbm>> -> memref<10240x32xf32, #tpu.memory_space<hbm>>
      tpu.enqueue_indirect_dma source(%dma_start3A_46 : memref<10240x32xf32, #tpu.memory_space<hbm>>) target(%arg8 : memref<128x32xf32, #tpu.memory_space<vmem>>) offsets(%dma_start3A_43 : memref<128xi32, #tpu.memory_space<vmem>>) semaphore(%arg11 : memref<!tpu.dma_semaphore, #tpu.memory_space<semaphore_mem>>)
      %dma_wait3A = arith.constant 0 : i32
      %dma_wait3A_47 = tpu.memref_slice %arg6[%scan3A_40, %dma_wait3A] : memref<79x128xi32, #tpu.memory_space<vmem>> -> memref<1x128xi32, #tpu.memory_space<vmem>>
      %dma_wait3A_48 = tpu.memref_squeeze %dma_wait3A_47 : memref<1x128xi32, #tpu.memory_space<vmem>> -> memref<128xi32, #tpu.memory_space<vmem>>
      %dma_wait3A_49 = arith.constant 0 : i32
      %dma_wait3A_50 = arith.constant 0 : i32
      %dma_wait3A_51 = tpu.memref_slice %arg2[%dma_wait3A_49, %dma_wait3A_50] : memref<10240x32xf32, #tpu.memory_space<hbm>> -> memref<10240x32xf32, #tpu.memory_space<hbm>>
      tpu.wait_indirect_dma semaphore(%arg11 : memref<!tpu.dma_semaphore, #tpu.memory_space<semaphore_mem>>) src(%dma_wait3A_51 : memref<10240x32xf32, #tpu.memory_space<hbm>>) dst(%arg8 : memref<128x32xf32, #tpu.memory_space<vmem>>)
      "tpu.region"() ({
        %run_scoped3A = tpu.sem_alloc : memref<!tpu.dma_semaphore, #tpu.memory_space<semaphore_mem>>
        %dma_start3A_53 = arith.constant 0 : i32
        %dma_start3A_54 = tpu.memref_slice %arg7[%scan3A_40, %dma_start3A_53] : memref<79x128xi32, #tpu.memory_space<vmem>> -> memref<1x128xi32, #tpu.memory_space<vmem>>
        %dma_start3A_55 = tpu.memref_squeeze %dma_start3A_54 : memref<1x128xi32, #tpu.memory_space<vmem>> -> memref<128xi32, #tpu.memory_space<vmem>>
        %dma_start3A_56 = arith.constant 0 : i32
        %dma_start3A_57 = arith.constant 0 : i32
        %dma_start3A_58 = tpu.memref_slice %arg10[%dma_start3A_56, %dma_start3A_57] : memref<10240x32xf32, #tpu.memory_space<vmem_shared>> -> memref<10240x32xf32, #tpu.memory_space<vmem_shared>>
        tpu.enqueue_indirect_dma source(%arg8 : memref<128x32xf32, #tpu.memory_space<vmem>>) target(%dma_start3A_58 : memref<10240x32xf32, #tpu.memory_space<vmem_shared>>) offsets(%dma_start3A_55 : memref<128xi32, #tpu.memory_space<vmem>>) semaphore(%run_scoped3A : memref<!tpu.dma_semaphore, #tpu.memory_space<semaphore_mem>>) {add = true}
        %dma_wait3A_59 = arith.constant 0 : i32
        %dma_wait3A_60 = tpu.memref_slice %arg7[%scan3A_40, %dma_wait3A_59] : memref<79x128xi32, #tpu.memory_space<vmem>> -> memref<1x128xi32, #tpu.memory_space<vmem>>
        %dma_wait3A_61 = tpu.memref_squeeze %dma_wait3A_60 : memref<1x128xi32, #tpu.memory_space<vmem>> -> memref<128xi32, #tpu.memory_space<vmem>>
        %dma_wait3A_62 = arith.constant 0 : i32
        %dma_wait3A_63 = arith.constant 0 : i32
        %dma_wait3A_64 = tpu.memref_slice %arg10[%dma_wait3A_62, %dma_wait3A_63] : memref<10240x32xf32, #tpu.memory_space<vmem_shared>> -> memref<10240x32xf32, #tpu.memory_space<vmem_shared>>
        tpu.wait_indirect_dma semaphore(%run_scoped3A : memref<!tpu.dma_semaphore, #tpu.memory_space<semaphore_mem>>) src(%arg8 : memref<128x32xf32, #tpu.memory_space<vmem>>) dst(%dma_wait3A_64 : memref<10240x32xf32, #tpu.memory_space<vmem_shared>>)
        tpu.yield
      }) : () -> ()
      %scan3A_52 = arith.constant 0 : i32
      scf.yield %scan3A_52 : i32
    }
    %scan3A_34 = arith.constant 79 : i32
    %barrier3A_35 = arith.constant 0 : index
    tpu.barrier barrier_id(%barrier3A_35)
    %mul3A_36 = arith.constant 640 : i32
    %mul3A_37 = arith.muli %arg1, %mul3A_36 : i32
    %mul3A_38 = arith.constant 640 : i32
    %mul3A_39 = arith.muli %arg1, %mul3A_38 : i32
    "tpu.region"() ({
      %run_scoped3A = tpu.sem_alloc : memref<!tpu.dma_semaphore, #tpu.memory_space<semaphore_mem>>
      %dma_start3A = arith.constant 0 : i32
      %dma_start3A_40 = tpu.memref_slice %arg5[%arg0, %mul3A_39, %dma_start3A] : memref<2x10240x32xf32, #tpu.memory_space<hbm>> -> memref<1x640x32xf32, #tpu.memory_space<hbm>>
      %dma_start3A_41 = tpu.memref_squeeze %dma_start3A_40 : memref<1x640x32xf32, #tpu.memory_space<hbm>> -> memref<640x32xf32, #tpu.memory_space<hbm>>
      %dma_start3A_42 = arith.constant 0 : i32
      %dma_start3A_43 = tpu.memref_slice %arg10[%mul3A_37, %dma_start3A_42] : memref<10240x32xf32, #tpu.memory_space<vmem_shared>> -> memref<640x32xf32, #tpu.memory_space<vmem_shared>>
      tpu.enqueue_dma source(%dma_start3A_43 : memref<640x32xf32, #tpu.memory_space<vmem_shared>>) target(%dma_start3A_41 : memref<640x32xf32, #tpu.memory_space<hbm>>) target_semaphore(%run_scoped3A : memref<!tpu.dma_semaphore, #tpu.memory_space<semaphore_mem>>)
      %dma_wait3A = arith.constant 0 : i32
      %dma_wait3A_44 = tpu.memref_slice %arg5[%arg0, %mul3A_39, %dma_wait3A] : memref<2x10240x32xf32, #tpu.memory_space<hbm>> -> memref<1x640x32xf32, #tpu.memory_space<hbm>>
      %dma_wait3A_45 = tpu.memref_squeeze %dma_wait3A_44 : memref<1x640x32xf32, #tpu.memory_space<hbm>> -> memref<640x32xf32, #tpu.memory_space<hbm>>
      %dma_wait3A_46 = arith.constant 0 : i32
      %dma_wait3A_47 = tpu.memref_slice %arg10[%mul3A_37, %dma_wait3A_46] : memref<10240x32xf32, #tpu.memory_space<vmem_shared>> -> memref<640x32xf32, #tpu.memory_space<vmem_shared>>
      tpu.wait_dma2 semaphore(%run_scoped3A : memref<!tpu.dma_semaphore, #tpu.memory_space<semaphore_mem>>) src(%dma_wait3A_47 : memref<640x32xf32, #tpu.memory_space<vmem_shared>>) dst(%dma_wait3A_45 : memref<640x32xf32, #tpu.memory_space<hbm>>)
      tpu.yield
    }) : () -> ()
    return
  }
}

module attributes {stable_mosaic.version = 14 : i64} {
  func.func @body(%arg0: i32, %arg1: memref<1024x128xf32, #tpu.memory_space<vmem>>, %arg2: memref<128x64xf32, #tpu.memory_space<vmem>>, %arg3: memref<128x64xf32, #tpu.memory_space<vmem>>, %arg4: memref<1x64xf32, #tpu.memory_space<vmem>>, %arg5: memref<1024x80xf32, #tpu.memory_space<vmem>>, %arg6: memref<1024x64xf32, #tpu.memory_space<vmem>>) attributes {dimension_semantics = [#tpu.dimension_semantics<arbitrary>], iteration_bounds = array<i64: 10>, scalar_prefetch = 0 : i64, scratch_operands = 0 : i64, tpu.core_type = #tpu.core_type<tc>, window_params = [{transform_indices = @transform_0, window_bounds = array<i64: 1024, 128>}, {pipeline_mode = #tpu.pipeline_mode<synchronous>, transform_indices = @transform_1, window_bounds = array<i64: 128, 64>}, {pipeline_mode = #tpu.pipeline_mode<synchronous>, transform_indices = @transform_2, window_bounds = array<i64: 128, 64>}, {pipeline_mode = #tpu.pipeline_mode<synchronous>, transform_indices = @transform_3, window_bounds = array<i64: 1, 64>}, {transform_indices = @transform_4, window_bounds = array<i64: 1024, 80>}, {transform_indices = @transform_5, window_bounds = array<i64: 1024, 64>}]} {
    %get3A = arith.constant 0 : index
    %get3A_0 = arith.constant 0 : index
    %get3A_1 = vector.load %arg1[%get3A, %get3A_0] : memref<1024x128xf32, #tpu.memory_space<vmem>>, vector<1024x128xf32>
    %get3A_2 = arith.constant 0 : index
    %get3A_3 = arith.constant 0 : index
    %get3A_4 = vector.load %arg2[%get3A_2, %get3A_3] : memref<128x64xf32, #tpu.memory_space<vmem>>, vector<128x64xf32>
    %dot_general3A = arith.constant dense<0.000000e+00> : vector<1024x64xf32>
    %dot_general3A_5 = tpu.matmul %get3A_1, %get3A_4, %dot_general3A {dimension_numbers = #tpu.dot_dimension_numbers<[1], [0], [0], [1], [0, 0, 1, 1], [], []>, transpose_lhs_hint = false} : vector<1024x128xf32>, vector<128x64xf32>, vector<1024x64xf32> -> vector<1024x64xf32>
    %broadcast_in_dim3A = arith.constant 1.000000e+00 : f32
    %broadcast_in_dim3A_6 = vector.broadcast %broadcast_in_dim3A : f32 to vector<1024x1xf32>
    %broadcast_in_dim3A_7 = arith.constant 0.000000e+00 : f32
    %broadcast_in_dim3A_8 = vector.broadcast %broadcast_in_dim3A_7 : f32 to vector<1024x15xf32>
    %concatenate3A = tpu.concatenate %dot_general3A_5, %broadcast_in_dim3A_6, %broadcast_in_dim3A_8 in 1 : vector<1024x64xf32>, vector<1024x1xf32>, vector<1024x15xf32> -> vector<1024x80xf32>
    %swap3A = arith.constant 0 : index
    %swap3A_9 = arith.constant 0 : index
    %swap3A_10 = vector.load %arg5[%swap3A, %swap3A_9] : memref<1024x80xf32, #tpu.memory_space<vmem>>, vector<1024x80xf32>
    tpu.vector_store %arg5[%swap3A, %swap3A_9], %concatenate3A {strides = array<i32>} : memref<1024x80xf32, #tpu.memory_space<vmem>>, vector<1024x80xf32>,
    %get3A_11 = arith.constant 0 : index
    %get3A_12 = arith.constant 0 : index
    %get3A_13 = vector.load %arg3[%get3A_11, %get3A_12] : memref<128x64xf32, #tpu.memory_space<vmem>>, vector<128x64xf32>
    %dot_general3A_14 = arith.constant dense<0.000000e+00> : vector<1024x64xf32>
    %dot_general3A_15 = tpu.matmul %get3A_1, %get3A_13, %dot_general3A_14 {dimension_numbers = #tpu.dot_dimension_numbers<[1], [0], [0], [1], [0, 0, 1, 1], [], []>, transpose_lhs_hint = false} : vector<1024x128xf32>, vector<128x64xf32>, vector<1024x64xf32> -> vector<1024x64xf32>
    %get3A_16 = arith.constant 0 : index
    %get3A_17 = arith.constant 0 : index
    %get3A_18 = vector.load %arg4[%get3A_16, %get3A_17] : memref<1x64xf32, #tpu.memory_space<vmem>>, vector<1x64xf32>
    %add3A = vector.broadcast %get3A_18 : vector<1x64xf32> to vector<1024x64xf32>
    %add3A_19 = arith.addf %dot_general3A_15, %add3A : vector<1024x64xf32>
    %swap3A_20 = arith.constant 0 : index
    %swap3A_21 = arith.constant 0 : index
    %swap3A_22 = vector.load %arg6[%swap3A_20, %swap3A_21] : memref<1024x64xf32, #tpu.memory_space<vmem>>, vector<1024x64xf32>
    tpu.vector_store %arg6[%swap3A_20, %swap3A_21], %add3A_19 {strides = array<i32>} : memref<1024x64xf32, #tpu.memory_space<vmem>>, vector<1024x64xf32>,
    return
  }
  func.func @transform_0(%arg0: i32) -> (i32, i32) {
    %c0_i32 = arith.constant 0 : i32
    %c0_i32_0 = arith.constant 0 : i32
    return %arg0, %c0_i32 : i32, i32
  }
  func.func @transform_1(%arg0: i32) -> (i32, i32) {
    %c0_i32 = arith.constant 0 : i32
    %c0_i32_0 = arith.constant 0 : i32
    %c0_i32_1 = arith.constant 0 : i32
    return %c0_i32, %c0_i32_0 : i32, i32
  }
  func.func @transform_2(%arg0: i32) -> (i32, i32) {
    %c0_i32 = arith.constant 0 : i32
    %c0_i32_0 = arith.constant 0 : i32
    %c0_i32_1 = arith.constant 0 : i32
    return %c0_i32, %c0_i32_0 : i32, i32
  }
  func.func @transform_3(%arg0: i32) -> (i32, i32) {
    %c0_i32 = arith.constant 0 : i32
    %c0_i32_0 = arith.constant 0 : i32
    %c0_i32_1 = arith.constant 0 : i32
    return %c0_i32, %c0_i32_0 : i32, i32
  }
  func.func @transform_4(%arg0: i32) -> (i32, i32) {
    %c0_i32 = arith.constant 0 : i32
    %c0_i32_0 = arith.constant 0 : i32
    return %arg0, %c0_i32 : i32, i32
  }
  func.func @transform_5(%arg0: i32) -> (i32, i32) {
    %c0_i32 = arith.constant 0 : i32
    %c0_i32_0 = arith.constant 0 : i32
    return %arg0, %c0_i32 : i32, i32
  }
}

module attributes {stable_mosaic.version = 14 : i64} {
  func.func @body(%arg0: i32, %arg1: memref<2x1024x80xf32, #tpu.memory_space<vmem>>, %arg2: memref<1024x64xf32, #tpu.memory_space<vmem>>, %arg3: memref<64x32xf32, #tpu.memory_space<vmem>>, %arg4: memref<64x32xf32, #tpu.memory_space<vmem>>, %arg5: memref<1x32xf32, #tpu.memory_space<vmem>>, %arg6: memref<1024x32xf32, #tpu.memory_space<vmem>>, %arg7: memref<1024x32xf32, #tpu.memory_space<vmem>>, %arg8: memref<1024x8xf32, #tpu.memory_space<vmem>>) attributes {dimension_semantics = [#tpu.dimension_semantics<arbitrary>], iteration_bounds = array<i64: 10>, scalar_prefetch = 0 : i64, scratch_operands = 0 : i64, tpu.core_type = #tpu.core_type<tc>, window_params = [{transform_indices = @transform_0, window_bounds = array<i64: 2, 1024, 80>}, {transform_indices = @transform_1, window_bounds = array<i64: 1024, 64>}, {pipeline_mode = #tpu.pipeline_mode<synchronous>, transform_indices = @transform_2, window_bounds = array<i64: 64, 32>}, {pipeline_mode = #tpu.pipeline_mode<synchronous>, transform_indices = @transform_3, window_bounds = array<i64: 64, 32>}, {pipeline_mode = #tpu.pipeline_mode<synchronous>, transform_indices = @transform_4, window_bounds = array<i64: 1, 32>}, {transform_indices = @transform_5, window_bounds = array<i64: 1024, 32>}, {transform_indices = @transform_6, window_bounds = array<i64: 1024, 32>}, {transform_indices = @transform_7, window_bounds = array<i64: 1024, 8>}]} {
    %get3A = arith.constant 0 : index
    %get3A_0 = arith.constant 0 : index
    %get3A_1 = arith.constant 0 : index
    %get3A_2 = vector.load %arg1[%get3A, %get3A_0, %get3A_1] : memref<2x1024x80xf32, #tpu.memory_space<vmem>>, vector<2x1024x80xf32>
    %slice3A = vector.extract_strided_slice %get3A_2 {offsets = [0, 0, 0], sizes = [1, 1024, 80], strides = [1, 1, 1]} : vector<2x1024x80xf32> to vector<1x1024x80xf32>
    %squeeze3A = vector.shape_cast %slice3A : vector<1x1024x80xf32> to vector<1024x80xf32>
    %slice3A_3 = vector.extract_strided_slice %get3A_2 {offsets = [1, 0, 0], sizes = [1, 1024, 80], strides = [1, 1, 1]} : vector<2x1024x80xf32> to vector<1x1024x80xf32>
    %squeeze3A_4 = vector.shape_cast %slice3A_3 : vector<1x1024x80xf32> to vector<1024x80xf32>
    %add3A = arith.addf %squeeze3A, %squeeze3A_4 : vector<1024x80xf32>
    %slice3A_5 = vector.extract_strided_slice %add3A {offsets = [0, 64], sizes = [1024, 1], strides = [1, 1]} : vector<1024x80xf32> to vector<1024x1xf32>
    %max3A = arith.constant 1.000000e+00 : f32
    %max3A_6 = vector.broadcast %max3A : f32 to vector<1024x1xf32>
    %max3A_7 = arith.maximumf %slice3A_5, %max3A_6 : vector<1024x1xf32>
    %slice3A_8 = vector.extract_strided_slice %add3A {offsets = [0, 0], sizes = [1024, 64], strides = [1, 1]} : vector<1024x80xf32> to vector<1024x64xf32>
    %div3A = vector.broadcast %max3A_7 : vector<1024x1xf32> to vector<1024x64xf32>
    %div3A_9 = arith.divf %slice3A_8, %div3A : vector<1024x64xf32>
    %get3A_10 = arith.constant 0 : index
    %get3A_11 = arith.constant 0 : index
    %get3A_12 = vector.load %arg2[%get3A_10, %get3A_11] : memref<1024x64xf32, #tpu.memory_space<vmem>>, vector<1024x64xf32>
    %add3A_13 = arith.addf %div3A_9, %get3A_12 : vector<1024x64xf32>
    %max3A_14 = arith.constant 0.000000e+00 : f32
    %max3A_15 = vector.broadcast %max3A_14 : f32 to vector<1024x64xf32>
    %max3A_16 = arith.maximumf %add3A_13, %max3A_15 : vector<1024x64xf32>
    %get3A_17 = arith.constant 0 : index
    %get3A_18 = arith.constant 0 : index
    %get3A_19 = vector.load %arg3[%get3A_17, %get3A_18] : memref<64x32xf32, #tpu.memory_space<vmem>>, vector<64x32xf32>
    %dot_general3A = arith.constant dense<0.000000e+00> : vector<1024x32xf32>
    %dot_general3A_20 = tpu.matmul %max3A_16, %get3A_19, %dot_general3A {dimension_numbers = #tpu.dot_dimension_numbers<[1], [0], [0], [1], [0, 0, 1, 1], [], []>, transpose_lhs_hint = false} : vector<1024x64xf32>, vector<64x32xf32>, vector<1024x32xf32> -> vector<1024x32xf32>
    %swap3A = arith.constant 0 : index
    %swap3A_21 = arith.constant 0 : index
    %swap3A_22 = vector.load %arg6[%swap3A, %swap3A_21] : memref<1024x32xf32, #tpu.memory_space<vmem>>, vector<1024x32xf32>
    tpu.vector_store %arg6[%swap3A, %swap3A_21], %dot_general3A_20 {strides = array<i32>} : memref<1024x32xf32, #tpu.memory_space<vmem>>, vector<1024x32xf32>,
    %get3A_23 = arith.constant 0 : index
    %get3A_24 = arith.constant 0 : index
    %get3A_25 = vector.load %arg4[%get3A_23, %get3A_24] : memref<64x32xf32, #tpu.memory_space<vmem>>, vector<64x32xf32>
    %dot_general3A_26 = arith.constant dense<0.000000e+00> : vector<1024x32xf32>
    %dot_general3A_27 = tpu.matmul %max3A_16, %get3A_25, %dot_general3A_26 {dimension_numbers = #tpu.dot_dimension_numbers<[1], [0], [0], [1], [0, 0, 1, 1], [], []>, transpose_lhs_hint = false} : vector<1024x64xf32>, vector<64x32xf32>, vector<1024x32xf32> -> vector<1024x32xf32>
    %get3A_28 = arith.constant 0 : index
    %get3A_29 = arith.constant 0 : index
    %get3A_30 = vector.load %arg5[%get3A_28, %get3A_29] : memref<1x32xf32, #tpu.memory_space<vmem>>, vector<1x32xf32>
    %add3A_31 = vector.broadcast %get3A_30 : vector<1x32xf32> to vector<1024x32xf32>
    %add3A_32 = arith.addf %dot_general3A_27, %add3A_31 : vector<1024x32xf32>
    %swap3A_33 = arith.constant 0 : index
    %swap3A_34 = arith.constant 0 : index
    %swap3A_35 = vector.load %arg7[%swap3A_33, %swap3A_34] : memref<1024x32xf32, #tpu.memory_space<vmem>>, vector<1024x32xf32>
    tpu.vector_store %arg7[%swap3A_33, %swap3A_34], %add3A_32 {strides = array<i32>} : memref<1024x32xf32, #tpu.memory_space<vmem>>, vector<1024x32xf32>,
    %broadcast_in_dim3A = vector.shape_cast %max3A_7 : vector<1024x1xf32> to vector<1024x1xf32>
    %broadcast_in_dim3A_36 = vector.broadcast %broadcast_in_dim3A : vector<1024x1xf32> to vector<1024x8xf32>
    %swap3A_37 = arith.constant 0 : index
    %swap3A_38 = arith.constant 0 : index
    %swap3A_39 = vector.load %arg8[%swap3A_37, %swap3A_38] : memref<1024x8xf32, #tpu.memory_space<vmem>>, vector<1024x8xf32>
    tpu.vector_store %arg8[%swap3A_37, %swap3A_38], %broadcast_in_dim3A_36 {strides = array<i32>} : memref<1024x8xf32, #tpu.memory_space<vmem>>, vector<1024x8xf32>,
    return
  }
  func.func @transform_0(%arg0: i32) -> (i32, i32, i32) {
    %c0_i32 = arith.constant 0 : i32
    %c0_i32_0 = arith.constant 0 : i32
    %c0_i32_1 = arith.constant 0 : i32
    return %c0_i32, %arg0, %c0_i32_0 : i32, i32, i32
  }
  func.func @transform_1(%arg0: i32) -> (i32, i32) {
    %c0_i32 = arith.constant 0 : i32
    %c0_i32_0 = arith.constant 0 : i32
    return %arg0, %c0_i32 : i32, i32
  }
  func.func @transform_2(%arg0: i32) -> (i32, i32) {
    %c0_i32 = arith.constant 0 : i32
    %c0_i32_0 = arith.constant 0 : i32
    %c0_i32_1 = arith.constant 0 : i32
    return %c0_i32, %c0_i32_0 : i32, i32
  }
  func.func @transform_3(%arg0: i32) -> (i32, i32) {
    %c0_i32 = arith.constant 0 : i32
    %c0_i32_0 = arith.constant 0 : i32
    %c0_i32_1 = arith.constant 0 : i32
    return %c0_i32, %c0_i32_0 : i32, i32
  }
  func.func @transform_4(%arg0: i32) -> (i32, i32) {
    %c0_i32 = arith.constant 0 : i32
    %c0_i32_0 = arith.constant 0 : i32
    %c0_i32_1 = arith.constant 0 : i32
    return %c0_i32, %c0_i32_0 : i32, i32
  }
  func.func @transform_5(%arg0: i32) -> (i32, i32) {
    %c0_i32 = arith.constant 0 : i32
    %c0_i32_0 = arith.constant 0 : i32
    return %arg0, %c0_i32 : i32, i32
  }
  func.func @transform_6(%arg0: i32) -> (i32, i32) {
    %c0_i32 = arith.constant 0 : i32
    %c0_i32_0 = arith.constant 0 : i32
    return %arg0, %c0_i32 : i32, i32
  }
  func.func @transform_7(%arg0: i32) -> (i32, i32) {
    %c0_i32 = arith.constant 0 : i32
    %c0_i32_0 = arith.constant 0 : i32
    return %arg0, %c0_i32 : i32, i32
  }
}

module attributes {stable_mosaic.version = 14 : i64} {
  func.func @body(%arg0: i32, %arg1: memref<2x1024x32xf32, #tpu.memory_space<vmem>>, %arg2: memref<1024x32xf32, #tpu.memory_space<vmem>>, %arg3: memref<1024x8xf32, #tpu.memory_space<vmem>>, %arg4: memref<32x32xf32, #tpu.memory_space<vmem>>, %arg5: memref<1x32xf32, #tpu.memory_space<vmem>>, %arg6: memref<32x8xf32, #tpu.memory_space<vmem>>, %arg7: memref<1x8xf32, #tpu.memory_space<vmem>>, %arg8: memref<1024x32xf32, #tpu.memory_space<vmem>>, %arg9: memref<1024x8xf32, #tpu.memory_space<vmem>>) attributes {dimension_semantics = [#tpu.dimension_semantics<arbitrary>], iteration_bounds = array<i64: 10>, scalar_prefetch = 0 : i64, scratch_operands = 0 : i64, tpu.core_type = #tpu.core_type<tc>, window_params = [{transform_indices = @transform_0, window_bounds = array<i64: 2, 1024, 32>}, {transform_indices = @transform_1, window_bounds = array<i64: 1024, 32>}, {transform_indices = @transform_2, window_bounds = array<i64: 1024, 8>}, {pipeline_mode = #tpu.pipeline_mode<synchronous>, transform_indices = @transform_3, window_bounds = array<i64: 32, 32>}, {pipeline_mode = #tpu.pipeline_mode<synchronous>, transform_indices = @transform_4, window_bounds = array<i64: 1, 32>}, {pipeline_mode = #tpu.pipeline_mode<synchronous>, transform_indices = @transform_5, window_bounds = array<i64: 32, 8>}, {pipeline_mode = #tpu.pipeline_mode<synchronous>, transform_indices = @transform_6, window_bounds = array<i64: 1, 8>}, {transform_indices = @transform_7, window_bounds = array<i64: 1024, 32>}, {transform_indices = @transform_8, window_bounds = array<i64: 1024, 8>}]} {
    %get3A = arith.constant 0 : index
    %get3A_0 = arith.constant 0 : index
    %get3A_1 = arith.constant 0 : index
    %get3A_2 = vector.load %arg1[%get3A, %get3A_0, %get3A_1] : memref<2x1024x32xf32, #tpu.memory_space<vmem>>, vector<2x1024x32xf32>
    %slice3A = vector.extract_strided_slice %get3A_2 {offsets = [0, 0, 0], sizes = [1, 1024, 32], strides = [1, 1, 1]} : vector<2x1024x32xf32> to vector<1x1024x32xf32>
    %squeeze3A = vector.shape_cast %slice3A : vector<1x1024x32xf32> to vector<1024x32xf32>
    %slice3A_3 = vector.extract_strided_slice %get3A_2 {offsets = [1, 0, 0], sizes = [1, 1024, 32], strides = [1, 1, 1]} : vector<2x1024x32xf32> to vector<1x1024x32xf32>
    %squeeze3A_4 = vector.shape_cast %slice3A_3 : vector<1x1024x32xf32> to vector<1024x32xf32>
    %add3A = arith.addf %squeeze3A, %squeeze3A_4 : vector<1024x32xf32>
    %get3A_5 = arith.constant 0 : index
    %get3A_6 = arith.constant 0 : index
    %get3A_7 = vector.load %arg3[%get3A_5, %get3A_6] : memref<1024x8xf32, #tpu.memory_space<vmem>>, vector<1024x8xf32>
    %slice3A_8 = vector.extract_strided_slice %get3A_7 {offsets = [0, 0], sizes = [1024, 1], strides = [1, 1]} : vector<1024x8xf32> to vector<1024x1xf32>
    %div3A = vector.broadcast %slice3A_8 : vector<1024x1xf32> to vector<1024x32xf32>
    %div3A_9 = arith.divf %add3A, %div3A : vector<1024x32xf32>
    %get3A_10 = arith.constant 0 : index
    %get3A_11 = arith.constant 0 : index
    %get3A_12 = vector.load %arg2[%get3A_10, %get3A_11] : memref<1024x32xf32, #tpu.memory_space<vmem>>, vector<1024x32xf32>
    %add3A_13 = arith.addf %div3A_9, %get3A_12 : vector<1024x32xf32>
    %max3A = arith.constant 0.000000e+00 : f32
    %max3A_14 = vector.broadcast %max3A : f32 to vector<1024x32xf32>
    %max3A_15 = arith.maximumf %add3A_13, %max3A_14 : vector<1024x32xf32>
    %get3A_16 = arith.constant 0 : index
    %get3A_17 = arith.constant 0 : index
    %get3A_18 = vector.load %arg4[%get3A_16, %get3A_17] : memref<32x32xf32, #tpu.memory_space<vmem>>, vector<32x32xf32>
    %dot_general3A = arith.constant dense<0.000000e+00> : vector<1024x32xf32>
    %dot_general3A_19 = tpu.matmul %max3A_15, %get3A_18, %dot_general3A {dimension_numbers = #tpu.dot_dimension_numbers<[1], [0], [0], [1], [0, 0, 1, 1], [], []>, transpose_lhs_hint = false} : vector<1024x32xf32>, vector<32x32xf32>, vector<1024x32xf32> -> vector<1024x32xf32>
    %get3A_20 = arith.constant 0 : index
    %get3A_21 = arith.constant 0 : index
    %get3A_22 = vector.load %arg5[%get3A_20, %get3A_21] : memref<1x32xf32, #tpu.memory_space<vmem>>, vector<1x32xf32>
    %add3A_23 = vector.broadcast %get3A_22 : vector<1x32xf32> to vector<1024x32xf32>
    %add3A_24 = arith.addf %dot_general3A_19, %add3A_23 : vector<1024x32xf32>
    %swap3A = arith.constant 0 : index
    %swap3A_25 = arith.constant 0 : index
    %swap3A_26 = vector.load %arg8[%swap3A, %swap3A_25] : memref<1024x32xf32, #tpu.memory_space<vmem>>, vector<1024x32xf32>
    tpu.vector_store %arg8[%swap3A, %swap3A_25], %add3A_24 {strides = array<i32>} : memref<1024x32xf32, #tpu.memory_space<vmem>>, vector<1024x32xf32>,
    %get3A_27 = arith.constant 0 : index
    %get3A_28 = arith.constant 0 : index
    %get3A_29 = vector.load %arg6[%get3A_27, %get3A_28] : memref<32x8xf32, #tpu.memory_space<vmem>>, vector<32x8xf32>
    %dot_general3A_30 = arith.constant dense<0.000000e+00> : vector<1024x8xf32>
    %dot_general3A_31 = tpu.matmul %add3A_24, %get3A_29, %dot_general3A_30 {dimension_numbers = #tpu.dot_dimension_numbers<[1], [0], [0], [1], [0, 0, 1, 1], [], []>, transpose_lhs_hint = false} : vector<1024x32xf32>, vector<32x8xf32>, vector<1024x8xf32> -> vector<1024x8xf32>
    %get3A_32 = arith.constant 0 : index
    %get3A_33 = arith.constant 0 : index
    %get3A_34 = vector.load %arg7[%get3A_32, %get3A_33] : memref<1x8xf32, #tpu.memory_space<vmem>>, vector<1x8xf32>
    %add3A_35 = vector.broadcast %get3A_34 : vector<1x8xf32> to vector<1024x8xf32>
    %add3A_36 = arith.addf %dot_general3A_31, %add3A_35 : vector<1024x8xf32>
    %swap3A_37 = arith.constant 0 : index
    %swap3A_38 = arith.constant 0 : index
    %swap3A_39 = vector.load %arg9[%swap3A_37, %swap3A_38] : memref<1024x8xf32, #tpu.memory_space<vmem>>, vector<1024x8xf32>
    tpu.vector_store %arg9[%swap3A_37, %swap3A_38], %add3A_36 {strides = array<i32>} : memref<1024x8xf32, #tpu.memory_space<vmem>>, vector<1024x8xf32>,
    return
  }
  func.func @transform_0(%arg0: i32) -> (i32, i32, i32) {
    %c0_i32 = arith.constant 0 : i32
    %c0_i32_0 = arith.constant 0 : i32
    %c0_i32_1 = arith.constant 0 : i32
    return %c0_i32, %arg0, %c0_i32_0 : i32, i32, i32
  }
  func.func @transform_1(%arg0: i32) -> (i32, i32) {
    %c0_i32 = arith.constant 0 : i32
    %c0_i32_0 = arith.constant 0 : i32
    return %arg0, %c0_i32 : i32, i32
  }
  func.func @transform_2(%arg0: i32) -> (i32, i32) {
    %c0_i32 = arith.constant 0 : i32
    %c0_i32_0 = arith.constant 0 : i32
    return %arg0, %c0_i32 : i32, i32
  }
  func.func @transform_3(%arg0: i32) -> (i32, i32) {
    %c0_i32 = arith.constant 0 : i32
    %c0_i32_0 = arith.constant 0 : i32
    %c0_i32_1 = arith.constant 0 : i32
    return %c0_i32, %c0_i32_0 : i32, i32
  }
  func.func @transform_4(%arg0: i32) -> (i32, i32) {
    %c0_i32 = arith.constant 0 : i32
    %c0_i32_0 = arith.constant 0 : i32
    %c0_i32_1 = arith.constant 0 : i32
    return %c0_i32, %c0_i32_0 : i32, i32
  }
  func.func @transform_5(%arg0: i32) -> (i32, i32) {
    %c0_i32 = arith.constant 0 : i32
    %c0_i32_0 = arith.constant 0 : i32
    %c0_i32_1 = arith.constant 0 : i32
    return %c0_i32, %c0_i32_0 : i32, i32
  }
  func.func @transform_6(%arg0: i32) -> (i32, i32) {
    %c0_i32 = arith.constant 0 : i32
    %c0_i32_0 = arith.constant 0 : i32
    %c0_i32_1 = arith.constant 0 : i32
    return %c0_i32, %c0_i32_0 : i32, i32
  }
  func.func @transform_7(%arg0: i32) -> (i32, i32) {
    %c0_i32 = arith.constant 0 : i32
    %c0_i32_0 = arith.constant 0 : i32
    return %arg0, %c0_i32 : i32, i32
  }
  func.func @transform_8(%arg0: i32) -> (i32, i32) {
    %c0_i32 = arith.constant 0 : i32
    %c0_i32_0 = arith.constant 0 : i32
    return %arg0, %c0_i32 : i32, i32
  }
}

</mosaic_0001>

<sc_bundles>
// kernel: kernel.10.cloned.1.call-start
scs
__scs_entry_jumppad:
0x0: {  	(pc) =	sbr.rel $0x88, $3  }
0x1: {  	(tag) =	ssettag $0x0;
	lr =	simm.s32 $0x1  }
0x2: {  	[smem:$0x3F95] =	sst lr;
	_ =	strace $0xD0000000  }
0x3: {  	_ = 	snop  }
0x4: {  	_ = 	snop  }
0x5: {  	_ = 	snop  }
0x6: {  	_ = 	snop  }
0x7: {  	_ = 	snop  }
__scs_overlays_trampoline_lowered:
0x8: {  	[smem:$0x3FA4] =	sst s0  }
0x9: {  	[smem:$0x3FA5] =	sst s1  }
0xa: {  	[smem:$0x3FA6] =	sst s2  }
0xb: {  	[smem:$0x3FA7] =	sst s3  }
0xc: {  	[smem:$0x3FA8] =	sst s4  }
0xd: {  	[smem:$0x3FA9] =	sst s5  }
0xe: {  	[smem:$0x3FAA] =	sst s6  }
0xf: {  	[smem:$0x3FAB] =	sst s7  }
0x10: {  	[smem:$0x3FAC] =	sst s8  }
0x11: {  	[smem:$0x3FAD] =	sst s9;
	s0 =	simm.s32 @!p0 $0x0  }
0x12: {  	s1 =	sld [smem:$0x3F93];
	s0 =	simm.s32 @p0 $0x1  }
0x13: {  	[smem:$0x3FAE] =	sst s0;
	s0 =	simm.s32 @!p1 $0x0  }
0x14: {  	s2 =	sld [smem:$0x3F92];
	s0 =	simm.s32 @p1 $0x1  }
0x15: {  	[smem:$0x3FAF] =	sst s0;
	s0 =	simm.s32 @!p2 $0x0  }
0x16: {  	s3 =	sld [smem:$0x3FDB];
	s0 =	simm.s32 @p2 $0x1  }
0x17: {  	s4 =	simm.s32 $0x1BF5;
	[smem:$0x3FB1] =	sst s0  }
0x18: {  	s0 =	sld [smem:$0x3F94];
	_ =	swait.ge [sflag:s4], $0x0  }
0x19: {  	s7 =	sld [smem:$0x3F95]  }
0x1a: {  	s8 =	sadd.s32 $0xFFFFE003, lr  }
0x1b: {  	s9 =	sadd.s32 $0xFFFFFEF7, lr;
	s5 =	simm.s32 $0xFFFFFFFF;
	p2 =	slt.u32 s8, $0xFFFFF086  }
0x1c: {  	p1 =	slt.u32 s9, $0xF7A;
	s5 =	simm.s32 @!p2 $0x0  }
0x1d: {  	s5 =	simm.s32 @p1 $0x1;
	p0 =	seq.s32 s7, s2  }
0x1e: {  	s7 =	smul.u32 @!p0 $0xF7A, s2;
	p2 =	seq.s32 @!p0 s5, $0x0  }
0x1f: {  	s9 =	smul.u32 $0xF7A, s1;
	s8 =	simm.s32 @!p0 $0x1BF5;
	p2 =	por !p2, p0  }
0x20: {  	[sflag:s8] =	ssyncset.s32 @!p0 $0xFFFFF086;
	s6 =	sadd.s32 @!p0 s3, s7;
	s7 =	simm.s32 @!p0 $0x108  }
0x21: {  	s3 =	sadd.s32 s3, s9;
	s6 =	sadd.s32 @!p0 $0x88, s6;
	s7 =	simm.s32 @p2 $0x1082  }
0x22: {  	[simem:s7], [sflag:s8] =	dma.local @!p0 [hbm:s6], $0xF7A  }
0x23: {  	s9 =	sor.u32 $0xD0000000, s2;
	s6 =	simm.s32 $0x108;
	_ =	swait.ge @!p0 [sflag:s8], $0x0  }
0x24: {  	s3 =	sadd.s32 $0x88, s3;
	s6 =	simm.s32 @!p1 $0x1082;
	[sflag:s4] =	ssyncset.s32 $0xFFFFF086  }
0x25: {  	[simem:s6], [sflag:s4] =	dma.local [hbm:s3], $0xF7A  }
0x26: {  	[smem:$0x3F95] =	sst s1;
	(tag) =	ssettag s2;
	_ =	strace s9  }
0x27: {  	s1 =	sld [smem:$0x3FA5]  }
0x28: {  	s2 =	sld [smem:$0x3FA6]  }
0x29: {  	s4 =	sld [smem:$0x3FA8]  }
0x2a: {  	p0 =	seq.s32 s5, $0x0;
	s5 =	sld [smem:$0x3FA9]  }
0x2b: {  	s6 =	sld [smem:$0x3FAA]  }
0x2c: {  	s7 =	sld [smem:$0x3FAB]  }
0x2d: {  	s3 =	simm.s32 $0x108;
	s8 =	sld [smem:$0x3FAC]  }
0x2e: {  	s3 =	simm.s32 @!p0 $0x1082;
	s9 =	sld [smem:$0x3FAD]  }
0x2f: {  	lr =	sadd.s32 s0, s3;
	s0 =	sld [smem:$0x3FA4]  }
0x30: {  	s3 =	sld [smem:$0x3FA7]  }
0x31: {  	[smem:$0x3FB0] =	sst s10  }
0x32: {  	s10 =	sld [smem:$0x3FAE];
	_ =	sdelay $0x3  }
0x33: {  	p0 =	seq.s32 s10, $0x1;
	s10 =	sld [smem:$0x3FB0];
	_ =	sdelay $0x3  }
0x34: {  	[smem:$0x3FB0] =	sst s10  }
0x35: {  	s10 =	sld [smem:$0x3FAF];
	_ =	sdelay $0x3  }
0x36: {  	p1 =	seq.s32 s10, $0x1;
	s10 =	sld [smem:$0x3FB0];
	_ =	sdelay $0x3  }
0x37: {  	[smem:$0x3FB0] =	sst s10  }
0x38: {  	s10 =	sld [smem:$0x3FB1]  }
0x39: {  	_ = 	snop;
	(pc) =	sbr.ind lr, $3  }
0x3a: {  	_ = 	snop  }
0x3b: {  	_ = 	snop  }
0x3c: {  	p2 =	seq.s32 s10, $0x1;
	s10 =	sld [smem:$0x3FB0]  }
0x3d: {  	_ =	shalt  }
0x3e: {  	_ =	shalt  }
0x3f: {  	_ =	shalt  }
0x40: {  	_ =	shalt  }
0x41: {  	_ =	shalt  }
0x42: {  	_ =	shalt  }
0x43: {  	_ =	shalt  }
0x44: {  	_ =	shalt  }
0x45: {  	_ =	shalt  }
0x46: {  	_ =	shalt  }
0x47: {  	_ =	shalt  }
0x48: {  	_ =	shalt  }
0x49: {  	_ =	shalt  }
0x4a: {  	_ =	shalt  }
0x4b: {  	_ =	shalt  }
0x4c: {  	_ =	shalt  }
0x4d: {  	_ =	shalt  }
0x4e: {  	_ =	shalt  }
0x4f: {  	_ =	shalt  }
0x50: {  	_ =	shalt  }
0x51: {  	_ =	shalt  }
0x52: {  	_ =	shalt  }
0x53: {  	_ =	shalt  }
0x54: {  	_ =	shalt  }
0x55: {  	_ =	shalt  }
0x56: {  	_ =	shalt  }
0x57: {  	_ =	shalt  }
0x58: {  	_ =	shalt  }
0x59: {  	_ =	shalt  }
0x5a: {  	_ =	shalt  }
0x5b: {  	_ =	shalt  }
0x5c: {  	_ =	shalt  }
0x5d: {  	_ =	shalt  }
0x5e: {  	_ =	shalt  }
0x5f: {  	_ =	shalt  }
0x60: {  	_ =	shalt  }
0x61: {  	_ =	shalt  }
0x62: {  	_ =	shalt  }
0x63: {  	_ =	shalt  }
0x64: {  	_ =	shalt  }
0x65: {  	_ =	shalt  }
0x66: {  	_ =	shalt  }
0x67: {  	_ =	shalt  }
0x68: {  	_ =	shalt  }
0x69: {  	_ =	shalt  }
0x6a: {  	_ =	shalt  }
0x6b: {  	_ =	shalt  }
0x6c: {  	_ =	shalt  }
0x6d: {  	_ =	shalt  }
0x6e: {  	_ =	shalt  }
0x6f: {  	_ =	shalt  }
0x70: {  	_ =	shalt  }
0x71: {  	_ =	shalt  }
0x72: {  	_ =	shalt  }
0x73: {  	_ =	shalt  }
0x74: {  	_ =	shalt  }
0x75: {  	_ =	shalt  }
0x76: {  	_ =	shalt  }
0x77: {  	_ =	shalt  }
0x78: {  	_ =	shalt  }
0x79: {  	_ =	shalt  }
0x7a: {  	_ =	shalt  }
0x7b: {  	_ =	shalt  }
0x7c: {  	_ =	shalt  }
0x7d: {  	_ =	shalt  }
0x7e: {  	_ =	shalt  }
0x7f: {  	_ =	shalt  }
0x80: {  	_ =	shalt  }
0x81: {  	_ =	shalt  }
0x82: {  	_ =	shalt  }
0x83: {  	_ =	shalt  }
0x84: {  	_ =	shalt  }
0x85: {  	_ =	shalt  }
0x86: {  	_ =	shalt  }
0x87: {  	_ =	shalt  }
.Lfunc_end0:
.L_simem_size_0:
called_computation.1_lowered:
.L_overlay_start_0:
0x88: {  	s2 =	sld [smem:$0x3FD9]  }
0x89: {  	s3 =	sld [smem:$0x3FFE];
	_ =	sdelay $0x1  }
0x8a: {  	s1 =	srdreg.scid  }
0x8b: {  	s0 =	sand.u32 $0x1, s1  }
0x8c: {  	s14 =	sshll.u32 s0, $0xA;
	s2 =	sadd.s32 s3, s2  }
0x8d: {  	s2 =	sadd.s32 s2, s14  }
0x8e: {  	[smem:$0x3FBC] =	sst s2  }
0x8f: {  	_ = 	snop  }
0x90: {  	s2 =	sld [smem:$0x3FD0];
	_ =	sdelay $0x2  }
0x91: {  	s15 =	simm.s32 $0xA;
	s4 =	simm.s32 $0x10  }
0x92: {  	[smem:s4], [sflag:s15] =	dma.local [hbm:s2], $0x1  }
0x93: {  	_ =	swait.eq [sflag:s15], $0x1  }
0x94: {  	[sflag:s15] =	ssyncset.done $0x0  }
0x95: {  	[sflag:s15] =	ssyncadd.s32 $0xFFFFFFFF  }
0x96: {  	s16 =	sld [smem:$0x11];
	(tm) =	ssettm $0x1  }
0x97: {  	s17 =	sld [smem:$0x3FFB];
	_ =	sdelay $0x3  }
0x98: {  	_ =	strace s17  }
0x99: {  	s3 =	sld [smem:$0x3FFC];
	_ =	sdelay $0x3  }
0x9a: {  	_ =	strace s3  }
0x9b: {  	s3 =	sld [smem:$0x3FFD];
	_ =	sdelay $0x3  }
0x9c: {  	_ =	strace s3  }
0x9d: {  	_ =	strace $0x8FFFFFFF  }
0x9e: {  	s18 =	sld [smem:$0x3FDB];
	_ =	sdelay $0x1  }
0x9f: {  	s19 =	simm.s32 $_scs_section_size  }
0xa0: {  	s5 =	simm.s32 $_size__tile_overlayer_lowered;
	s6 =	simm.s32 $_tile_overlayer_lowered  }
0xa1: {  	s22 =	simm.s32 $0x1BFF;
	s21 =	sshll.u32 s6, $0x1;
	s3 =	sadd.s32 s19, s18  }
0xa2: {  	s7 =	simm.s32 $0x0;
	s20 =	sshll.u32 s5, $0x1;
	s5 =	sadd.s32 s21, s3  }
0xa3: {  	[timem:s7], [sflag:s22] =	dma.local [hbm:s5], s20  }
0xa4: {  	_ =	swait.ge [sflag:s22], s20  }
0xa5: {  	s4 =	ssub.s32 $0x0, s20;
	[sflag:s22] =	ssyncset.done $0x0  }
0xa6: {  	[sflag:s22] =	ssyncadd.s32 s4;
	_ =	sdelay $0x1  }
0xa7: {  	s23 =	simm.s32 $0x1B8B  }
0xa8: {  	_ =	swait.ge [sflag:s23], $0x1  }
0xa9: {  	[sflag:s23] =	ssyncset.done $0x0  }
0xaa: {  	s25 =	simm.s32 $0x1B8E;
	s24 =	sld [smem:$0x3FFE];
	[sflag:s23] =	ssyncadd.s32 $0xFFFFFFFF  }
0xab: {  	s26 =	simm.s32 $execute0_lowered;
	[smem:$0x3FD2] =	sst s25  }
0xac: {  	s5 =	sshll.u32 s26, $0x1;
	_ =	strace $0x80000049;
	[dreg:$0x1] =	wrdreg $0xFFFFFFFF  }
0xad: {  	s28 =	simm.s32 $_size_execute0_lowered;
	s3 =	sadd.s32 s3, s5;
	[dreg:$0x0] =	wrdreg $0x0  }
0xae: {  	s5 =	sshll.u32 s28, $0x1;
	[dreg:$0x2] =	wrdreg s3  }
0xaf: {  	[dreg:$0x3] =	wrdreg s5  }
0xb0: {  	[dreg:$0x4] =	wrdreg $0xC0  }
0xb1: {  	_ =	task [dreg:s7], $0x5FFFF  }
0xb2: {  	[dreg:$0x1] =	wrdreg $0xFFFFFFFF  }
0xb3: {  	[dreg:$0x0] =	wrdreg $0x60  }
0xb4: {  	[dreg:$0x2] =	wrdreg s24  }
0xb5: {  	[dreg:$0x3] =	wrdreg s16  }
0xb6: {  	[dreg:$0x4] =	wrdreg $0x6F000  }
0xb7: {  	[dreg:$0x5] =	wrdreg $0x9  }
0xb8: {  	_ =	task.clear_ibuf [dreg:s7], $0x6FFFF;
	_ =	strace $0x90000049  }
0xb9: {  	s29 =	simm.s32 $0x9;
	_ =	strace $0x8000004B  }
0xba: {  	_ =	swait.ge [sflag:s29], $0x1  }
0xbb: {  	[sflag:s29] =	ssyncadd.s32 $0xFFFFFFFF  }
0xbc: {  	_ =	strace $0x9000004B  }
0xbd: {  	_ =	sfence  }
0xbe: {  	s30 =	sld [smem:$0x0];
	_ =	sdelay $0x2  }
0xbf: {  	s31 =	sshll.u32 s1, $0xD;
	s1 =	sshrl.u32 s1, $0x2  }
0xc0: {  	s3 =	sand.u32 $0x4000, s31;
	s1 =	sadd.s32 s1, s30  }
0xc1: {  	s0 =	sor.u32 s3, s0;
	s1 =	sshll.u32 s1, $0x11  }
0xc2: {  	s0 =	sor.u32 s1, s0  }
0xc3: {  	s0 =	sadd.s32 $0x8F2B, s0  }
0xc4: {  	[sflag:s0] =	ssyncadd.remote.s32 $0x1  }
0xc5: {  	_ =	sfence.sel $0xFFFF  }
0xc6: {  	[dreg:$0x0] =	wrdreg $0xFFFFFFFF;
	(pc) =	sbr.abs _section_cstart, $3  }
0xc7: {  	[dreg:$0x1] =	wrdreg $0xFFFFFFFF  }
0xc8: {  	_ =	task.clear_ibuf [dreg:s7], $0x2FFFF;
	_ =	strace $0x9FFFFFFF  }
0xc9: {  	(tm) =	ssettm $0x7FFFFFFF  }
tec
execute0_lowered:
.L_overlay_start_1:
0x0: {  	(tag) =	ssettag $0x1  }
0x1: {  	s5 =	rddreg [dreg:$0x0]  }
0x2: {  	s6 =	rddreg [dreg:$0x1]  }
0x3: {  	s2 =	rddreg [dreg:$0x2]  }
0x4: {  	s0 =	rddreg [dreg:$0x3];
	s3 =	simm.s32 $0x0;
	s4 =	srdreg.scid  }
0x5: {  	s1 =	stileid.u32;
	s15 =	simm.s32 $0x2780;
	s16 =	simm.s32 $0x5F00  }
0x6: {  	s17 =	simm.s32 $0x80;
	s18 =	simm.s32 $0x4F00;
	s19 =	simm.s32 $0x1  }
0x7: {  	s22 =	simm.s32 $0x0;
	s7 =	sand.u32 $0x1, s4;
	s8 =	smul.u32 $0x5000, s1  }
0x8: {  	s29 =	sshll.u32 s1, $0x1;
	[smem:$0x7FF] =	sst s3;
	s11 =	smul.u32 $0x14000, s1  }
0x9: {  	s20 =	sshll.u32 s1, $0x6;
	s4 =	sor.u32 s7, s29;
	s9 =	smul.u32 $0x50000, s7  }
0xa: {  	_ =	strace $0x8000004A;
	s7 =	ssub.s32 $0x2, s7;
	s20 =	sor.u32 $0x1C02, s20  }
0xb: {  	s10 =	smul.u32 $0x4F0, s4;
	s4 =	sadd.s32 $0x33800, s5;
	s30 =	sshrl.u32 s7, $0x1  }
0xc: {  	s31 =	sshrl.u32 s11, $0x2;
	s9 =	sadd.s32 s8, s9;
	s14 =	ssub.s32 s7, s30  }
0xd: {  	s11 =	sadd.s32 s31, s2;
	s7 =	sadd.s32 s8, s2;
	s12 =	sadd.s32 s10, s5  }
0xe: {  	s9 =	sshrl.u32 s9, $0x3;
	s8 =	sadd.s32 $0x1000, s11;
	s21 =	sshrl.u32 s7, $0x3  }
0xf: {  	s13 =	sadd.s32 s9, s5;
	s5 =	sadd.s32 s6, s10;
	s6 =	sadd.s32 $0x1A00, s12  }
0x10: {  	s9 =	sadd.s32 $0x2000, s11;
	s10 =	sadd.s32 $0x3000, s11;
	s11 =	sadd.s32 $0x4000, s11  }
0x11: {  	v0 =	vimm.f32 $0.0e+00;
	s12 =	sadd.s32 $0x3D800, s13;
	s13 =	smax.u32 s14, $0x1;
	s14 =	simm.s32 $0x2  }
.LBB2_1:
0x12: {  	[tilespmem:s3], [sflag:$0x2] =	stream.linear.gather [hbm4b:s5+s3], $0x2780, $0x38;
	[tilespmem:$0xBF00] =	vst v63  }
0x13: {  	_ =	swait.ge [sflag:s14], $0x2780  }
0x14: {  	[sflag:s14] =	ssyncset.done $0x0  }
0x15: {  	[sflag:s14] =	ssyncadd.s32 $0xFFFFD880  }
0x16: {  	[tilespmem:s15], [sflag:$0x2] =	stream.linear.gather [hbm4b:s6+s3], $0x2780, $0x38;
	[tilespmem:$0xBF00] =	vst v63  }
0x17: {  	_ =	swait.ge [sflag:s14], $0x2780  }
0x18: {  	[sflag:s14] =	ssyncset.done $0x0  }
0x19: {  	s23 =	simm.s32 $0x80;
	s24 =	simm.s32 $0x0;
	[sflag:s14] =	ssyncadd.s32 $0xFFFFD880  }
.LBB2_2:
0x1a: {  	p0 =	sne.s32 s23, $0x3F80;
	[tilespmem:s24+$0x5F00] =	vst v0;
	s25 =	smov.u32 s23;
	s23 =	sadd.s32 $0x80, s23  }
.Ltmp0:
0x1b: {  	[tilespmem:s24+$0x5F10] =	vst v0;
	(pc) =	sbr.rel @p0 .LBB2_2-.Ltmp0, $2  }
0x1c: {  	_ =	sdelay $0x2  }
0x1d: {  	s24 =	sshra.s32 s25, $0x2  }
0x1e: {  	[tilespmem:s24+$0x5F00] =	vst v0  }
0x1f: {  	[tilespmem:s24+$0x5F10] =	vst v0  }
0x20: {  	[spmem:s7] =	stream.linear.scatter [tilespmem:s16], [sflag:$0x2], $0x1000, $0x38;
	[tilespmem:$0xBF00] =	vst v63  }
0x21: {  	_ =	swait.ge [sflag:s14], $0x1000  }
0x22: {  	[sflag:s14] =	ssyncset.done $0x0  }
0x23: {  	[sflag:s14] =	ssyncadd.s32 $0xFFFFF000  }
0x24: {  	[spmem:s8] =	stream.linear.scatter [tilespmem:s16], [sflag:$0x2], $0x1000, $0x38;
	[tilespmem:$0xBF00] =	vst v63  }
0x25: {  	_ =	swait.ge [sflag:s14], $0x1000  }
0x26: {  	[sflag:s14] =	ssyncset.done $0x0  }
0x27: {  	[sflag:s14] =	ssyncadd.s32 $0xFFFFF000  }
0x28: {  	[spmem:s9] =	stream.linear.scatter [tilespmem:s16], [sflag:$0x2], $0x1000, $0x38;
	[tilespmem:$0xBF00] =	vst v63  }
0x29: {  	_ =	swait.ge [sflag:s14], $0x1000  }
0x2a: {  	[sflag:s14] =	ssyncset.done $0x0  }
0x2b: {  	[sflag:s14] =	ssyncadd.s32 $0xFFFFF000  }
0x2c: {  	[spmem:s10] =	stream.linear.scatter [tilespmem:s16], [sflag:$0x2], $0x1000, $0x38;
	[tilespmem:$0xBF00] =	vst v63  }
0x2d: {  	_ =	swait.ge [sflag:s14], $0x1000  }
0x2e: {  	[sflag:s14] =	ssyncset.done $0x0  }
0x2f: {  	[sflag:s14] =	ssyncadd.s32 $0xFFFFF000  }
0x30: {  	[spmem:s11] =	stream.linear.scatter [tilespmem:s16], [sflag:$0x2], $0x1000, $0x38;
	[tilespmem:$0xBF00] =	vst v63  }
0x31: {  	_ =	swait.ge [sflag:s14], $0x1000  }
0x32: {  	[sflag:s14] =	ssyncset.done $0x0  }
0x33: {  	[sflag:s14] =	ssyncadd.s32 $0xFFFFF000  }
0x34: {  	s23 =	simm.s32 $0x0;
	[bflag:$0x0] =	sbarrier.arrive $0xFFFF  }
0x35: {  	[tilespmem:s18], [sflag:$0x1] =	stream.indirect.gather [hbm4b:s4+s17], $0x20, s23, s17, $0xb8;
	[tilespmem:$0xBF00] =	vst v63  }
0x36: {  	_ =	swait.ge [sflag:s19], $0x1000  }
0x37: {  	[sflag:s19] =	ssyncset.done $0x0  }
0x38: {  	s31 =	simm.s32 $0x2780;
	[sflag:s19] =	ssyncadd.s32 $0xFFFFF000  }
0x39: {  	[spmem:s2] =	stream.indirect.scatter.add.f32 [tilespmem:s18], [sflag:$0x2], $0x20, s31, s17, $0xb8;
	[tilespmem:$0xBF00] =	vst v63  }
0x3a: {  	_ =	swait.ge [sflag:s14], $0x1000  }
0x3b: {  	s24 =	simm.s32 $0x400;
	s23 =	simm.s32 $0x200;
	[sflag:s14] =	ssyncset.done $0x0  }
.LBB2_4:
0x3c: {  	s25 =	sshra.s32 s23, $0x2  }
0x3d: {  	[sflag:s14] =	ssyncadd.s32 $0xFFFFF000;
	s23 =	smov.u32 s24;
	s26 =	sadd.s32 $0x200, s24  }
0x3e: {  	[tilespmem:s18], [sflag:$0x1] =	stream.indirect.gather [hbm4b:s4+s17], $0x20, s25, s17, $0xb8;
	[tilespmem:$0xBF00] =	vst v63  }
0x3f: {  	p0 =	sne.s32 s24, $0x9C00;
	_ =	swait.ge [sflag:s19], $0x1000  }
.Ltmp1:
0x40: {  	[sflag:s19] =	ssyncset.done $0x0;
	(pc) =	sbr.rel @p0 .LBB2_4-.Ltmp1, $4  }
0x41: {  	s24 =	sadd.s32 $0x2780, s25;
	[sflag:s19] =	ssyncadd.s32 $0xFFFFF000  }
0x42: {  	[spmem:s2] =	stream.indirect.scatter.add.f32 [tilespmem:s18], [sflag:$0x2], $0x20, s24, s17, $0xb8;
	[tilespmem:$0xBF00] =	vst v63  }
0x43: {  	_ =	swait.ge [sflag:s14], $0x1000  }
0x44: {  	s24 =	smov.u32 s26;
	[sflag:s14] =	ssyncset.done $0x0  }
0x45: {  	s23 =	sshra.s32 s23, $0x2;
	[sflag:s14] =	ssyncadd.s32 $0xFFFFF000  }
0x46: {  	[tilespmem:s18], [sflag:$0x1] =	stream.indirect.gather [hbm4b:s4+s17], $0x20, s23, s17, $0xb8;
	[tilespmem:$0xBF00] =	vst v63  }
0x47: {  	_ =	swait.ge [sflag:s19], $0x1000  }
0x48: {  	[sflag:s19] =	ssyncset.done $0x0  }
0x49: {  	s23 =	sadd.s32 $0x2780, s23;
	[sflag:s19] =	ssyncadd.s32 $0xFFFFF000  }
0x4a: {  	[spmem:s2] =	stream.indirect.scatter.add.f32 [tilespmem:s18], [sflag:$0x2], $0x20, s23, s17, $0xb8;
	[tilespmem:$0xBF00] =	vst v63  }
0x4b: {  	_ =	swait.ge [sflag:s14], $0x1000  }
0x4c: {  	s22 =	sadd.s32 $0x1, s22;
	[sflag:s14] =	ssyncset.done $0x0  }
0x4d: {  	p0 =	sne.s32 s22, s13;
	[sflag:s14] =	ssyncadd.s32 $0xFFFFF000  }
.Ltmp2:
0x4e: {  	[bflag:$0x0] =	sbarrier.arrive $0xFFFF;
	(pc) =	sbr.rel @p0 .LBB2_1-.Ltmp2, $4  }
0x4f: {  	[hbm:s12], [sflag:s20] =	dma.local [spmem:s21], $0xA00  }
0x50: {  	_ =	swait.ge [sflag:s14], $0xA00  }
0x51: {  	[sflag:s14] =	ssyncset.done $0x0  }
0x52: {  	[sflag:s14] =	ssyncadd.s32 $0xFFFFF600  }
0x53: {  	_ =	sfence.sel $0x180000  }
0x54: {  	[bflag:$0x0] =	sbarrier.arrive $0xFFFF  }
0x55: {  	p0 =	sne.s32 s1, $0x0;
	_ =	strace $0x9000004A  }
0x56: {  	s0 =	sadd.s32 @!p0 $0x100000, s0;
	[bflag:$0x2] =	sbarrier.arrive $0xFFFF  }
0x57: {  	[sflag:s0] =	ssyncadd.tile.s32 @!p0 $0x1;
	_ =	shalt  }
.Lfunc_end2:
_tile_overlayer_lowered:
.L_overlay_start_2:
0x58: {  	(tag) =	ssettag $0x2  }
0x59: {  	s0 =	rddreg [dreg:$0x0];
	s2 =	stileid.u32  }
0x5a: {  	s1 =	rddreg [dreg:$0x1];
	p0 =	sne.s32 s2, $0x0  }
0x5b: {  	s3 =	rddreg [dreg:$0x2];
	[bflag:$0x3] =	sbarrier.arrive $0xFFFF;
	s2 =	simm.s32 @!p0 $0x1C02  }
0x5c: {  	[timem:s3], [sflag:s2] =	dma.local @!p0 [hbm:s0], s1  }
0x5d: {  	s0 =	simm.s32 @!p0 $0x2  }
0x5e: {  	_ =	swait.ge @!p0 [sflag:s0], s1  }
0x5f: {  	s1 =	ssub.s32 @!p0 $0x0, s1;
	[sflag:s0] =	ssyncset.done @!p0 $0x0  }
0x60: {  	[sflag:s0] =	ssyncadd.s32 @!p0 s1  }
0x61: {  	[bflag:$0x3] =	sbarrier.arrive $0xFFFF  }
0x62: {  	_ =	shalt  }

// kernel: kernel.7.cloned.1.call-start
scs
__scs_entry_jumppad:
0x0: {  	(pc) =	sbr.rel $0x88, $3  }
0x1: {  	(tag) =	ssettag $0x0;
	lr =	simm.s32 $0x1  }
0x2: {  	[smem:$0x3F95] =	sst lr;
	_ =	strace $0xD0000000  }
0x3: {  	_ = 	snop  }
0x4: {  	_ = 	snop  }
0x5: {  	_ = 	snop  }
0x6: {  	_ = 	snop  }
0x7: {  	_ = 	snop  }
__scs_overlays_trampoline_lowered:
0x8: {  	[smem:$0x3FA4] =	sst s0  }
0x9: {  	[smem:$0x3FA5] =	sst s1  }
0xa: {  	[smem:$0x3FA6] =	sst s2  }
0xb: {  	[smem:$0x3FA7] =	sst s3  }
0xc: {  	[smem:$0x3FA8] =	sst s4  }
0xd: {  	[smem:$0x3FA9] =	sst s5  }
0xe: {  	[smem:$0x3FAA] =	sst s6  }
0xf: {  	[smem:$0x3FAB] =	sst s7  }
0x10: {  	[smem:$0x3FAC] =	sst s8  }
0x11: {  	[smem:$0x3FAD] =	sst s9;
	s0 =	simm.s32 @!p0 $0x0  }
0x12: {  	s1 =	sld [smem:$0x3F93];
	s0 =	simm.s32 @p0 $0x1  }
0x13: {  	[smem:$0x3FAE] =	sst s0;
	s0 =	simm.s32 @!p1 $0x0  }
0x14: {  	s2 =	sld [smem:$0x3F92];
	s0 =	simm.s32 @p1 $0x1  }
0x15: {  	[smem:$0x3FAF] =	sst s0;
	s0 =	simm.s32 @!p2 $0x0  }
0x16: {  	s3 =	sld [smem:$0x3FDB];
	s0 =	simm.s32 @p2 $0x1  }
0x17: {  	s4 =	simm.s32 $0x1BF5;
	[smem:$0x3FB1] =	sst s0  }
0x18: {  	s0 =	sld [smem:$0x3F94];
	_ =	swait.ge [sflag:s4], $0x0  }
0x19: {  	s7 =	sld [smem:$0x3F95]  }
0x1a: {  	s8 =	sadd.s32 $0xFFFFE003, lr  }
0x1b: {  	s9 =	sadd.s32 $0xFFFFFEF7, lr;
	s5 =	simm.s32 $0xFFFFFFFF;
	p2 =	slt.u32 s8, $0xFFFFF086  }
0x1c: {  	p1 =	slt.u32 s9, $0xF7A;
	s5 =	simm.s32 @!p2 $0x0  }
0x1d: {  	s5 =	simm.s32 @p1 $0x1;
	p0 =	seq.s32 s7, s2  }
0x1e: {  	s7 =	smul.u32 @!p0 $0xF7A, s2;
	p2 =	seq.s32 @!p0 s5, $0x0  }
0x1f: {  	s9 =	smul.u32 $0xF7A, s1;
	s8 =	simm.s32 @!p0 $0x1BF5;
	p2 =	por !p2, p0  }
0x20: {  	[sflag:s8] =	ssyncset.s32 @!p0 $0xFFFFF086;
	s6 =	sadd.s32 @!p0 s3, s7;
	s7 =	simm.s32 @!p0 $0x108  }
0x21: {  	s3 =	sadd.s32 s3, s9;
	s6 =	sadd.s32 @!p0 $0x88, s6;
	s7 =	simm.s32 @p2 $0x1082  }
0x22: {  	[simem:s7], [sflag:s8] =	dma.local @!p0 [hbm:s6], $0xF7A  }
0x23: {  	s9 =	sor.u32 $0xD0000000, s2;
	s6 =	simm.s32 $0x108;
	_ =	swait.ge @!p0 [sflag:s8], $0x0  }
0x24: {  	s3 =	sadd.s32 $0x88, s3;
	s6 =	simm.s32 @!p1 $0x1082;
	[sflag:s4] =	ssyncset.s32 $0xFFFFF086  }
0x25: {  	[simem:s6], [sflag:s4] =	dma.local [hbm:s3], $0xF7A  }
0x26: {  	[smem:$0x3F95] =	sst s1;
	(tag) =	ssettag s2;
	_ =	strace s9  }
0x27: {  	s1 =	sld [smem:$0x3FA5]  }
0x28: {  	s2 =	sld [smem:$0x3FA6]  }
0x29: {  	s4 =	sld [smem:$0x3FA8]  }
0x2a: {  	p0 =	seq.s32 s5, $0x0;
	s5 =	sld [smem:$0x3FA9]  }
0x2b: {  	s6 =	sld [smem:$0x3FAA]  }
0x2c: {  	s7 =	sld [smem:$0x3FAB]  }
0x2d: {  	s3 =	simm.s32 $0x108;
	s8 =	sld [smem:$0x3FAC]  }
0x2e: {  	s3 =	simm.s32 @!p0 $0x1082;
	s9 =	sld [smem:$0x3FAD]  }
0x2f: {  	lr =	sadd.s32 s0, s3;
	s0 =	sld [smem:$0x3FA4]  }
0x30: {  	s3 =	sld [smem:$0x3FA7]  }
0x31: {  	[smem:$0x3FB0] =	sst s10  }
0x32: {  	s10 =	sld [smem:$0x3FAE];
	_ =	sdelay $0x3  }
0x33: {  	p0 =	seq.s32 s10, $0x1;
	s10 =	sld [smem:$0x3FB0];
	_ =	sdelay $0x3  }
0x34: {  	[smem:$0x3FB0] =	sst s10  }
0x35: {  	s10 =	sld [smem:$0x3FAF];
	_ =	sdelay $0x3  }
0x36: {  	p1 =	seq.s32 s10, $0x1;
	s10 =	sld [smem:$0x3FB0];
	_ =	sdelay $0x3  }
0x37: {  	[smem:$0x3FB0] =	sst s10  }
0x38: {  	s10 =	sld [smem:$0x3FB1]  }
0x39: {  	_ = 	snop;
	(pc) =	sbr.ind lr, $3  }
0x3a: {  	_ = 	snop  }
0x3b: {  	_ = 	snop  }
0x3c: {  	p2 =	seq.s32 s10, $0x1;
	s10 =	sld [smem:$0x3FB0]  }
0x3d: {  	_ =	shalt  }
0x3e: {  	_ =	shalt  }
0x3f: {  	_ =	shalt  }
0x40: {  	_ =	shalt  }
0x41: {  	_ =	shalt  }
0x42: {  	_ =	shalt  }
0x43: {  	_ =	shalt  }
0x44: {  	_ =	shalt  }
0x45: {  	_ =	shalt  }
0x46: {  	_ =	shalt  }
0x47: {  	_ =	shalt  }
0x48: {  	_ =	shalt  }
0x49: {  	_ =	shalt  }
0x4a: {  	_ =	shalt  }
0x4b: {  	_ =	shalt  }
0x4c: {  	_ =	shalt  }
0x4d: {  	_ =	shalt  }
0x4e: {  	_ =	shalt  }
0x4f: {  	_ =	shalt  }
0x50: {  	_ =	shalt  }
0x51: {  	_ =	shalt  }
0x52: {  	_ =	shalt  }
0x53: {  	_ =	shalt  }
0x54: {  	_ =	shalt  }
0x55: {  	_ =	shalt  }
0x56: {  	_ =	shalt  }
0x57: {  	_ =	shalt  }
0x58: {  	_ =	shalt  }
0x59: {  	_ =	shalt  }
0x5a: {  	_ =	shalt  }
0x5b: {  	_ =	shalt  }
0x5c: {  	_ =	shalt  }
0x5d: {  	_ =	shalt  }
0x5e: {  	_ =	shalt  }
0x5f: {  	_ =	shalt  }
0x60: {  	_ =	shalt  }
0x61: {  	_ =	shalt  }
0x62: {  	_ =	shalt  }
0x63: {  	_ =	shalt  }
0x64: {  	_ =	shalt  }
0x65: {  	_ =	shalt  }
0x66: {  	_ =	shalt  }
0x67: {  	_ =	shalt  }
0x68: {  	_ =	shalt  }
0x69: {  	_ =	shalt  }
0x6a: {  	_ =	shalt  }
0x6b: {  	_ =	shalt  }
0x6c: {  	_ =	shalt  }
0x6d: {  	_ =	shalt  }
0x6e: {  	_ =	shalt  }
0x6f: {  	_ =	shalt  }
0x70: {  	_ =	shalt  }
0x71: {  	_ =	shalt  }
0x72: {  	_ =	shalt  }
0x73: {  	_ =	shalt  }
0x74: {  	_ =	shalt  }
0x75: {  	_ =	shalt  }
0x76: {  	_ =	shalt  }
0x77: {  	_ =	shalt  }
0x78: {  	_ =	shalt  }
0x79: {  	_ =	shalt  }
0x7a: {  	_ =	shalt  }
0x7b: {  	_ =	shalt  }
0x7c: {  	_ =	shalt  }
0x7d: {  	_ =	shalt  }
0x7e: {  	_ =	shalt  }
0x7f: {  	_ =	shalt  }
0x80: {  	_ =	shalt  }
0x81: {  	_ =	shalt  }
0x82: {  	_ =	shalt  }
0x83: {  	_ =	shalt  }
0x84: {  	_ =	shalt  }
0x85: {  	_ =	shalt  }
0x86: {  	_ =	shalt  }
0x87: {  	_ =	shalt  }
.Lfunc_end0:
.L_simem_size_0:
called_computation_lowered:
.L_overlay_start_0:
0x88: {  	s2 =	sld [smem:$0x3FD9]  }
0x89: {  	s3 =	sld [smem:$0x3FFE];
	_ =	sdelay $0x1  }
0x8a: {  	s1 =	srdreg.scid  }
0x8b: {  	s0 =	sand.u32 $0x1, s1  }
0x8c: {  	s14 =	sshll.u32 s0, $0xA;
	s2 =	sadd.s32 s3, s2  }
0x8d: {  	s2 =	sadd.s32 s2, s14  }
0x8e: {  	[smem:$0x3FBC] =	sst s2  }
0x8f: {  	_ = 	snop  }
0x90: {  	s2 =	sld [smem:$0x3FD0];
	_ =	sdelay $0x2  }
0x91: {  	s15 =	simm.s32 $0xA;
	s4 =	simm.s32 $0x10  }
0x92: {  	[smem:s4], [sflag:s15] =	dma.local [hbm:s2], $0x1  }
0x93: {  	_ =	swait.eq [sflag:s15], $0x1  }
0x94: {  	[sflag:s15] =	ssyncset.done $0x0  }
0x95: {  	[sflag:s15] =	ssyncadd.s32 $0xFFFFFFFF  }
0x96: {  	s16 =	sld [smem:$0x11];
	(tm) =	ssettm $0x1  }
0x97: {  	s17 =	sld [smem:$0x3FFB];
	_ =	sdelay $0x3  }
0x98: {  	_ =	strace s17  }
0x99: {  	s3 =	sld [smem:$0x3FFC];
	_ =	sdelay $0x3  }
0x9a: {  	_ =	strace s3  }
0x9b: {  	s3 =	sld [smem:$0x3FFD];
	_ =	sdelay $0x3  }
0x9c: {  	_ =	strace s3  }
0x9d: {  	_ =	strace $0x8FFFFFFF  }
0x9e: {  	s18 =	sld [smem:$0x3FDB];
	_ =	sdelay $0x1  }
0x9f: {  	s19 =	simm.s32 $_scs_section_size  }
0xa0: {  	s5 =	simm.s32 $_size__tile_overlayer_lowered;
	s6 =	simm.s32 $_tile_overlayer_lowered  }
0xa1: {  	s22 =	simm.s32 $0x1BFF;
	s21 =	sshll.u32 s6, $0x1;
	s3 =	sadd.s32 s19, s18  }
0xa2: {  	s7 =	simm.s32 $0x0;
	s20 =	sshll.u32 s5, $0x1;
	s5 =	sadd.s32 s21, s3  }
0xa3: {  	[timem:s7], [sflag:s22] =	dma.local [hbm:s5], s20  }
0xa4: {  	_ =	swait.ge [sflag:s22], s20  }
0xa5: {  	s4 =	ssub.s32 $0x0, s20;
	[sflag:s22] =	ssyncset.done $0x0  }
0xa6: {  	[sflag:s22] =	ssyncadd.s32 s4;
	_ =	sdelay $0x1  }
0xa7: {  	s23 =	simm.s32 $0x1B8B  }
0xa8: {  	_ =	swait.ge [sflag:s23], $0x1  }
0xa9: {  	[sflag:s23] =	ssyncset.done $0x0  }
0xaa: {  	s25 =	simm.s32 $0x1B8E;
	s24 =	sld [smem:$0x3FFE];
	[sflag:s23] =	ssyncadd.s32 $0xFFFFFFFF  }
0xab: {  	s26 =	simm.s32 $execute0_lowered;
	[smem:$0x3FD2] =	sst s25  }
0xac: {  	s5 =	sshll.u32 s26, $0x1;
	_ =	strace $0x80000046;
	[dreg:$0x1] =	wrdreg $0xFFFFFFFF  }
0xad: {  	s28 =	simm.s32 $_size_execute0_lowered;
	s3 =	sadd.s32 s3, s5;
	[dreg:$0x0] =	wrdreg $0x0  }
0xae: {  	s5 =	sshll.u32 s28, $0x1;
	[dreg:$0x2] =	wrdreg s3  }
0xaf: {  	[dreg:$0x3] =	wrdreg s5  }
0xb0: {  	[dreg:$0x4] =	wrdreg $0xC0  }
0xb1: {  	_ =	task [dreg:s7], $0x5FFFF  }
0xb2: {  	[dreg:$0x1] =	wrdreg $0xFFFFFFFF  }
0xb3: {  	[dreg:$0x0] =	wrdreg $0x60  }
0xb4: {  	[dreg:$0x2] =	wrdreg s24  }
0xb5: {  	[dreg:$0x3] =	wrdreg s16  }
0xb6: {  	[dreg:$0x4] =	wrdreg $0x9F000  }
0xb7: {  	[dreg:$0x5] =	wrdreg $0x9  }
0xb8: {  	_ =	task.clear_ibuf [dreg:s7], $0x6FFFF;
	_ =	strace $0x90000046  }
0xb9: {  	s29 =	simm.s32 $0x9;
	_ =	strace $0x80000048  }
0xba: {  	_ =	swait.ge [sflag:s29], $0x1  }
0xbb: {  	[sflag:s29] =	ssyncadd.s32 $0xFFFFFFFF  }
0xbc: {  	_ =	strace $0x90000048  }
0xbd: {  	_ =	sfence  }
0xbe: {  	s30 =	sld [smem:$0x0];
	_ =	sdelay $0x2  }
0xbf: {  	s31 =	sshll.u32 s1, $0xD;
	s1 =	sshrl.u32 s1, $0x2  }
0xc0: {  	s3 =	sand.u32 $0x4000, s31;
	s1 =	sadd.s32 s1, s30  }
0xc1: {  	s0 =	sor.u32 s3, s0;
	s1 =	sshll.u32 s1, $0x11  }
0xc2: {  	s0 =	sor.u32 s1, s0  }
0xc3: {  	s0 =	sadd.s32 $0x8F2B, s0  }
0xc4: {  	[sflag:s0] =	ssyncadd.remote.s32 $0x1  }
0xc5: {  	_ =	sfence.sel $0xFFFF  }
0xc6: {  	[dreg:$0x0] =	wrdreg $0xFFFFFFFF;
	(pc) =	sbr.abs _section_cstart, $3  }
0xc7: {  	[dreg:$0x1] =	wrdreg $0xFFFFFFFF  }
0xc8: {  	_ =	task.clear_ibuf [dreg:s7], $0x2FFFF;
	_ =	strace $0x9FFFFFFF  }
0xc9: {  	(tm) =	ssettm $0x7FFFFFFF  }
tec
execute0_lowered:
.L_overlay_start_1:
0x0: {  	(tag) =	ssettag $0x1  }
0x1: {  	s5 =	rddreg [dreg:$0x0]  }
0x2: {  	s6 =	rddreg [dreg:$0x1]  }
0x3: {  	s2 =	rddreg [dreg:$0x2]  }
0x4: {  	s0 =	rddreg [dreg:$0x3];
	s3 =	simm.s32 $0x0;
	s4 =	srdreg.scid  }
0x5: {  	s1 =	stileid.u32;
	s15 =	simm.s32 $0x2780;
	s16 =	simm.s32 $0x7700  }
0x6: {  	s17 =	simm.s32 $0x80;
	s18 =	simm.s32 $0x4F00;
	s19 =	simm.s32 $0x1  }
0x7: {  	s22 =	simm.s32 $0x0;
	s7 =	sand.u32 $0x1, s4;
	s8 =	smul.u32 $0xC800, s1  }
0x8: {  	s29 =	sshll.u32 s1, $0x1;
	[smem:$0x7FF] =	sst s3;
	s11 =	smul.u32 $0x32000, s1  }
0x9: {  	s20 =	sshll.u32 s1, $0x6;
	s4 =	sor.u32 s7, s29;
	s9 =	smul.u32 $0xC8000, s7  }
0xa: {  	_ =	strace $0x80000047;
	s7 =	ssub.s32 $0x2, s7;
	s20 =	sor.u32 $0x1C02, s20  }
0xb: {  	s10 =	smul.u32 $0x4F0, s4;
	s4 =	sadd.s32 $0xB800, s5;
	s30 =	sshrl.u32 s7, $0x1  }
0xc: {  	s31 =	sshrl.u32 s11, $0x2;
	s9 =	sadd.s32 s8, s9;
	s14 =	ssub.s32 s7, s30  }
0xd: {  	s11 =	sadd.s32 s31, s2;
	s7 =	sadd.s32 s8, s2;
	s12 =	sadd.s32 s10, s5  }
0xe: {  	s9 =	sshrl.u32 s9, $0x3;
	s8 =	sadd.s32 $0x2800, s11;
	s21 =	sshrl.u32 s7, $0x3  }
0xf: {  	s13 =	sadd.s32 s9, s5;
	s5 =	sadd.s32 s6, s10;
	s6 =	sadd.s32 $0x1A00, s12  }
0x10: {  	s9 =	sadd.s32 $0x5000, s11;
	s10 =	sadd.s32 $0x7800, s11;
	s11 =	sadd.s32 $0xA000, s11  }
0x11: {  	v0 =	vimm.f32 $0.0e+00;
	s12 =	sadd.s32 $0x24800, s13;
	s13 =	smax.u32 s14, $0x1;
	s14 =	simm.s32 $0x2  }
.LBB2_1:
0x12: {  	[tilespmem:s3], [sflag:$0x2] =	stream.linear.gather [hbm4b:s5+s3], $0x2780, $0x38;
	[tilespmem:$0x16700] =	vst v63  }
0x13: {  	_ =	swait.ge [sflag:s14], $0x2780  }
0x14: {  	[sflag:s14] =	ssyncset.done $0x0  }
0x15: {  	[sflag:s14] =	ssyncadd.s32 $0xFFFFD880  }
0x16: {  	[tilespmem:s15], [sflag:$0x2] =	stream.linear.gather [hbm4b:s6+s3], $0x2780, $0x38;
	[tilespmem:$0x16700] =	vst v63  }
0x17: {  	_ =	swait.ge [sflag:s14], $0x2780  }
0x18: {  	[sflag:s14] =	ssyncset.done $0x0  }
0x19: {  	s24 =	simm.s32 $0x140;
	s23 =	simm.s32 $0x0;
	[sflag:s14] =	ssyncadd.s32 $0xFFFFD880  }
.LBB2_2:
0x1a: {  	p0 =	sne.s32 s24, $0x9EC0;
	[tilespmem:s23+$0x7740] =	vst v0;
	s25 =	smov.u32 s24;
	s24 =	sadd.s32 $0x140, s24  }
.Ltmp0:
0x1b: {  	[tilespmem:s23+$0x7730] =	vst v0;
	(pc) =	sbr.rel @p0 .LBB2_2-.Ltmp0, $4  }
0x1c: {  	[tilespmem:s23+$0x7720] =	vst v0  }
0x1d: {  	[tilespmem:s23+$0x7700] =	vst v0  }
0x1e: {  	[tilespmem:s23+$0x7710] =	vst v0  }
0x1f: {  	s23 =	sshra.s32 s25, $0x2  }
0x20: {  	[tilespmem:s23+$0x7740] =	vst v0  }
0x21: {  	[tilespmem:s23+$0x7730] =	vst v0  }
0x22: {  	[tilespmem:s23+$0x7720] =	vst v0  }
0x23: {  	[tilespmem:s23+$0x7700] =	vst v0  }
0x24: {  	[tilespmem:s23+$0x7710] =	vst v0  }
0x25: {  	[spmem:s7] =	stream.linear.scatter [tilespmem:s16], [sflag:$0x2], $0x2800, $0x38;
	[tilespmem:$0x16700] =	vst v63  }
0x26: {  	_ =	swait.ge [sflag:s14], $0x2800  }
0x27: {  	[sflag:s14] =	ssyncset.done $0x0  }
0x28: {  	[sflag:s14] =	ssyncadd.s32 $0xFFFFD800  }
0x29: {  	[spmem:s8] =	stream.linear.scatter [tilespmem:s16], [sflag:$0x2], $0x2800, $0x38;
	[tilespmem:$0x16700] =	vst v63  }
0x2a: {  	_ =	swait.ge [sflag:s14], $0x2800  }
0x2b: {  	[sflag:s14] =	ssyncset.done $0x0  }
0x2c: {  	[sflag:s14] =	ssyncadd.s32 $0xFFFFD800  }
0x2d: {  	[spmem:s9] =	stream.linear.scatter [tilespmem:s16], [sflag:$0x2], $0x2800, $0x38;
	[tilespmem:$0x16700] =	vst v63  }
0x2e: {  	_ =	swait.ge [sflag:s14], $0x2800  }
0x2f: {  	[sflag:s14] =	ssyncset.done $0x0  }
0x30: {  	[sflag:s14] =	ssyncadd.s32 $0xFFFFD800  }
0x31: {  	[spmem:s10] =	stream.linear.scatter [tilespmem:s16], [sflag:$0x2], $0x2800, $0x38;
	[tilespmem:$0x16700] =	vst v63  }
0x32: {  	_ =	swait.ge [sflag:s14], $0x2800  }
0x33: {  	[sflag:s14] =	ssyncset.done $0x0  }
0x34: {  	[sflag:s14] =	ssyncadd.s32 $0xFFFFD800  }
0x35: {  	[spmem:s11] =	stream.linear.scatter [tilespmem:s16], [sflag:$0x2], $0x2800, $0x38;
	[tilespmem:$0x16700] =	vst v63  }
0x36: {  	_ =	swait.ge [sflag:s14], $0x2800  }
0x37: {  	[sflag:s14] =	ssyncset.done $0x0  }
0x38: {  	[sflag:s14] =	ssyncadd.s32 $0xFFFFD800  }
0x39: {  	s30 =	simm.s32 $0x0;
	[bflag:$0x0] =	sbarrier.arrive $0xFFFF  }
0x3a: {  	[tilespmem:s18], [sflag:$0x1] =	stream.indirect.gather [hbm4b:s4+s17], $0x50, s30, s17, $0xb8;
	[tilespmem:$0x16700] =	vst v63  }
0x3b: {  	_ =	swait.ge [sflag:s19], $0x2800  }
0x3c: {  	[sflag:s19] =	ssyncset.done $0x0  }
0x3d: {  	s31 =	simm.s32 $0x2780;
	[sflag:s19] =	ssyncadd.s32 $0xFFFFD800  }
0x3e: {  	[spmem:s2] =	stream.indirect.scatter.add.f32 [tilespmem:s18], [sflag:$0x2], $0x50, s31, s17, $0xb8;
	[tilespmem:$0x16700] =	vst v63  }
0x3f: {  	_ =	swait.ge [sflag:s14], $0x2800  }
0x40: {  	s23 =	simm.s32 $0x200;
	s24 =	simm.s32 $0x400;
	[sflag:s14] =	ssyncset.done $0x0  }
.LBB2_4:
0x41: {  	s25 =	sshra.s32 s23, $0x2  }
0x42: {  	[sflag:s14] =	ssyncadd.s32 $0xFFFFD800;
	s23 =	smov.u32 s24;
	s26 =	sadd.s32 $0x200, s24  }
0x43: {  	[tilespmem:s18], [sflag:$0x1] =	stream.indirect.gather [hbm4b:s4+s17], $0x50, s25, s17, $0xb8;
	[tilespmem:$0x16700] =	vst v63  }
0x44: {  	p0 =	sne.s32 s24, $0x9C00;
	_ =	swait.ge [sflag:s19], $0x2800  }
.Ltmp1:
0x45: {  	[sflag:s19] =	ssyncset.done $0x0;
	(pc) =	sbr.rel @p0 .LBB2_4-.Ltmp1, $4  }
0x46: {  	s24 =	sadd.s32 $0x2780, s25;
	[sflag:s19] =	ssyncadd.s32 $0xFFFFD800  }
0x47: {  	[spmem:s2] =	stream.indirect.scatter.add.f32 [tilespmem:s18], [sflag:$0x2], $0x50, s24, s17, $0xb8;
	[tilespmem:$0x16700] =	vst v63  }
0x48: {  	_ =	swait.ge [sflag:s14], $0x2800  }
0x49: {  	s24 =	smov.u32 s26;
	[sflag:s14] =	ssyncset.done $0x0  }
0x4a: {  	s23 =	sshra.s32 s23, $0x2;
	[sflag:s14] =	ssyncadd.s32 $0xFFFFD800  }
0x4b: {  	[tilespmem:s18], [sflag:$0x1] =	stream.indirect.gather [hbm4b:s4+s17], $0x50, s23, s17, $0xb8;
	[tilespmem:$0x16700] =	vst v63  }
0x4c: {  	_ =	swait.ge [sflag:s19], $0x2800  }
0x4d: {  	[sflag:s19] =	ssyncset.done $0x0  }
0x4e: {  	s23 =	sadd.s32 $0x2780, s23;
	[sflag:s19] =	ssyncadd.s32 $0xFFFFD800  }
0x4f: {  	[spmem:s2] =	stream.indirect.scatter.add.f32 [tilespmem:s18], [sflag:$0x2], $0x50, s23, s17, $0xb8;
	[tilespmem:$0x16700] =	vst v63  }
0x50: {  	_ =	swait.ge [sflag:s14], $0x2800  }
0x51: {  	s22 =	sadd.s32 $0x1, s22;
	[sflag:s14] =	ssyncset.done $0x0  }
0x52: {  	p0 =	sne.s32 s22, s13;
	[sflag:s14] =	ssyncadd.s32 $0xFFFFD800  }
.Ltmp2:
0x53: {  	[bflag:$0x0] =	sbarrier.arrive $0xFFFF;
	(pc) =	sbr.rel @p0 .LBB2_1-.Ltmp2, $4  }
0x54: {  	[hbm:s12], [sflag:s20] =	dma.local [spmem:s21], $0x1900  }
0x55: {  	_ =	swait.ge [sflag:s14], $0x1900  }
0x56: {  	[sflag:s14] =	ssyncset.done $0x0  }
0x57: {  	[sflag:s14] =	ssyncadd.s32 $0xFFFFE700  }
0x58: {  	_ =	sfence.sel $0x180000  }
0x59: {  	[bflag:$0x0] =	sbarrier.arrive $0xFFFF  }
0x5a: {  	p0 =	sne.s32 s1, $0x0;
	_ =	strace $0x90000047  }
0x5b: {  	s0 =	sadd.s32 @!p0 $0x100000, s0;
	[bflag:$0x2] =	sbarrier.arrive $0xFFFF  }
0x5c: {  	[sflag:s0] =	ssyncadd.tile.s32 @!p0 $0x1;
	_ =	shalt  }
.Lfunc_end2:
_tile_overlayer_lowered:
.L_overlay_start_2:
0x5d: {  	(tag) =	ssettag $0x2  }
0x5e: {  	s0 =	rddreg [dreg:$0x0];
	s2 =	stileid.u32  }
0x5f: {  	s1 =	rddreg [dreg:$0x1];
	p0 =	sne.s32 s2, $0x0  }
0x60: {  	s3 =	rddreg [dreg:$0x2];
	[bflag:$0x3] =	sbarrier.arrive $0xFFFF;
	s2 =	simm.s32 @!p0 $0x1C02  }
0x61: {  	[timem:s3], [sflag:s2] =	dma.local @!p0 [hbm:s0], s1  }
0x62: {  	s0 =	simm.s32 @!p0 $0x2  }
0x63: {  	_ =	swait.ge @!p0 [sflag:s0], s1  }
0x64: {  	s1 =	ssub.s32 @!p0 $0x0, s1;
	[sflag:s0] =	ssyncset.done @!p0 $0x0  }
0x65: {  	[sflag:s0] =	ssyncadd.s32 @!p0 s1  }
0x66: {  	[bflag:$0x3] =	sbarrier.arrive $0xFFFF  }
0x67: {  	_ =	shalt  }

</sc_bundles>
